<compile_context>
chip_gen: v7x
topology: tpu7x:2x2x1
jax: 0.10.2.dev20260603
libtpu: 0.0.44.dev20260713+nightly
codegen_flags: <defaults>
</compile_context>

<pallas_src>
import jax
import jax.numpy as jnp
from jax import lax
from jax.experimental import pallas as pl
from jax.experimental.pallas import tpu as pltpu, tpu_sc as plsc

_NC = 2
_NS = 16
_NW = _NC * _NS

_N = 2 * 256 * 256
_H = 4
_D = 64
_W = _H * _D
_RW = _N // _NW
_CH = 64
_NSTEP = _RW // (2 * _CH)


def _sc_body(tabk_hbm, tabv_hbm, idx_hbm, outk_hbm, outv_hbm,
             idx_v, bk0, bv0, bk1, bv1, gs0, gs1, ws0, ws1):
    wid = lax.axis_index("s") * _NC + lax.axis_index("c")
    base = wid * _RW
    pltpu.sync_copy(idx_hbm.at[pl.ds(base, _RW)], idx_v)

    def step(t, carry):
        oa = 2 * t * _CH
        ob = oa + _CH
        rowa = base + oa
        rowb = base + ob
        ia = idx_v.at[pl.ds(oa, _CH)]
        ib = idx_v.at[pl.ds(ob, _CH)]

        @pl.when(t != 0)
        def _():
            pltpu.make_async_copy(bk0, outk_hbm.at[pl.ds(rowa, _CH)], ws0).wait()
            pltpu.make_async_copy(bv0, outv_hbm.at[pl.ds(rowa, _CH)], ws0).wait()

        pltpu.async_copy(tabk_hbm.at[ia], bk0, gs0)
        pltpu.async_copy(tabv_hbm.at[ia], bv0, gs0)

        @pl.when(t != 0)
        def _():
            pltpu.make_async_copy(bk1, outk_hbm.at[pl.ds(rowb, _CH)], ws1).wait()
            pltpu.make_async_copy(bv1, outv_hbm.at[pl.ds(rowb, _CH)], ws1).wait()

        pltpu.async_copy(tabk_hbm.at[ib], bk1, gs1)
        pltpu.async_copy(tabv_hbm.at[ib], bv1, gs1)

        pltpu.make_async_copy(tabk_hbm.at[ia], bk0, gs0).wait()
        pltpu.make_async_copy(tabv_hbm.at[ia], bv0, gs0).wait()
        pltpu.async_copy(bk0, outk_hbm.at[pl.ds(rowa, _CH)], ws0)
        pltpu.async_copy(bv0, outv_hbm.at[pl.ds(rowa, _CH)], ws0)

        pltpu.make_async_copy(tabk_hbm.at[ib], bk1, gs1).wait()
        pltpu.make_async_copy(tabv_hbm.at[ib], bv1, gs1).wait()
        pltpu.async_copy(bk1, outk_hbm.at[pl.ds(rowb, _CH)], ws1)
        pltpu.async_copy(bv1, outv_hbm.at[pl.ds(rowb, _CH)], ws1)
        return carry

    lax.fori_loop(0, _NSTEP, step, 0)

    pltpu.make_async_copy(bk0, outk_hbm.at[pl.ds(base, _CH)], ws0).wait()
    pltpu.make_async_copy(bv0, outv_hbm.at[pl.ds(base, _CH)], ws0).wait()
    pltpu.make_async_copy(bk1, outk_hbm.at[pl.ds(base, _CH)], ws1).wait()
    pltpu.make_async_copy(bv1, outv_hbm.at[pl.ds(base, _CH)], ws1).wait()


def kernel(inputs, brother_table, relation_type, num_heads):
    del relation_type, num_heads
    idx = inputs.reshape(-1).astype(jnp.int32)
    tab_k4 = jnp.tile(brother_table[:, :_D], (1, _H)).reshape(-1, _H, _D)
    tab_v4 = jnp.tile(brother_table[:, _D:], (1, _H)).reshape(-1, _H, _D)

    mesh = plsc.VectorSubcoreMesh(core_axis_name="c", subcore_axis_name="s")
    f = pl.kernel(
        _sc_body,
        out_type=(
            jax.ShapeDtypeStruct((_N, _H, _D), jnp.float32),
            jax.ShapeDtypeStruct((_N, _H, _D), jnp.float32),
        ),
        mesh=mesh,
        compiler_params=pltpu.CompilerParams(use_tc_tiling_on_sc=False),
        scratch_types=[
            pltpu.VMEM((_RW,), jnp.int32),
            pltpu.VMEM((_CH, _H, _D), jnp.float32),
            pltpu.VMEM((_CH, _H, _D), jnp.float32),
            pltpu.VMEM((_CH, _H, _D), jnp.float32),
            pltpu.VMEM((_CH, _H, _D), jnp.float32),
            pltpu.SemaphoreType.DMA,
            pltpu.SemaphoreType.DMA,
            pltpu.SemaphoreType.DMA,
            pltpu.SemaphoreType.DMA,
        ],
    )
    outk, outv = f(tab_k4, tab_v4, idx)
    out_shape = (inputs.shape[0] * _H, inputs.shape[1], inputs.shape[2], _D)
    return outk.reshape(out_shape), outv.reshape(out_shape)

# --- scband reference (transcript-rebuilt; emitter-appended) ---
"""Pipeline reference for scband-relative-position-embedding-41171556500102 (READ-ONLY COPY).

The authoritative reference and input builder live on the scoring server;
editing this copy changes nothing except your own understanding.
"""

import jax, jax.numpy as jnp
import numpy as np


def setup_inputs(seed: int = 0) -> dict:
    key = jax.random.key(seed)
    k1, k2 = jax.random.split(key)
    # relative position ids in [0, 2k+2) with k=64 -> vocab 130
    inputs = jax.random.randint(k1, (2, 256, 256), 0, 130, dtype=jnp.int32)
    # brother embedding table: (2k+2, d_model*2) = (130, 128); padding_idx=0 row zeroed
    brother_table = jax.random.normal(k2, (130, 128), dtype=jnp.float32) * 0.02
    brother_table = brother_table.at[0].set(0.0)
    return {"inputs": inputs, "brother_table": brother_table, "relation_type": 0, "num_heads": 4}


def reference(inputs, brother_table, relation_type, num_heads):
    # relation_type != 'parent' (harness passes 0) -> brother branch
    batch_size, max_size = inputs.shape[0], inputs.shape[1]
    d_model = brother_table.shape[1] // 2
    # nn.Embedding lookup (inputs.unsqueeze(3) then view collapses back; equivalent to direct gather)
    position_emb = jnp.take(brother_table, inputs, axis=0)  # [B, S, S, 2*d_model]
    # dropout with p=0.0 is identity
    position_emb = position_emb.reshape(batch_size, max_size, max_size, 2, d_model)
    k_emb = position_emb[:, :, :, 0, :]
    v_emb = position_emb[:, :, :, 1, :]
    num_heads_static = 4
    k_emb = jnp.where(num_heads > 0, k_emb, k_emb)
    v_emb = jnp.where(num_heads > 0, v_emb, v_emb)
    k_emb = jnp.tile(k_emb, (1, 1, 1, num_heads_static)).reshape(-1, max_size, max_size, d_model)
    v_emb = jnp.tile(v_emb, (1, 1, 1, num_heads_static)).reshape(-1, max_size, max_size, d_model)
    return (k_emb, v_emb)

if __name__ == "__main__":
    import jax
    _d = setup_inputs()
    print(jax.jit(kernel)(*tuple(_d.values())))

</pallas_src>

<mosaic_0001>
#map = affine_map<(d0, d1) -> (0, 0, 0)>
#map1 = affine_map<(d0, d1) -> (0)>
module attributes {stable_mosaic.version = 14 : i64} {
  func.func @_sc_body(%arg0: i32, %arg1: i32, %arg2: memref<130x4x64xf32, #tpu.memory_space<hbm>>, %arg3: memref<130x4x64xf32, #tpu.memory_space<hbm>>, %arg4: memref<131072xi32, #tpu.memory_space<hbm>>, %arg5: memref<131072x4x64xf32, #tpu.memory_space<hbm>>, %arg6: memref<131072x4x64xf32, #tpu.memory_space<hbm>>, %arg7: memref<4096xi32, #tpu.memory_space<vmem>>, %arg8: memref<64x4x64xf32, #tpu.memory_space<vmem>>, %arg9: memref<64x4x64xf32, #tpu.memory_space<vmem>>, %arg10: memref<64x4x64xf32, #tpu.memory_space<vmem>>, %arg11: memref<64x4x64xf32, #tpu.memory_space<vmem>>, %arg12: memref<!tpu.dma_semaphore, #tpu.memory_space<semaphore_mem>>, %arg13: memref<!tpu.dma_semaphore, #tpu.memory_space<semaphore_mem>>, %arg14: memref<!tpu.dma_semaphore, #tpu.memory_space<semaphore_mem>>, %arg15: memref<!tpu.dma_semaphore, #tpu.memory_space<semaphore_mem>>) attributes {dimension_semantics = [#tpu.dimension_semantics<core_parallel>, #tpu.dimension_semantics<subcore_parallel>], iteration_bounds = array<i64: 2, 16>, scalar_prefetch = 0 : i64, scratch_operands = 9 : i64, tpu.core_type = #tpu.core_type<sc_vector_subcore>, window_params = [{transform_indices = #map}, {transform_indices = #map}, {transform_indices = #map1}, {transform_indices = #map}, {transform_indices = #map}]} {
    %mul3A = arith.constant 2 : i32
    %mul3A_0 = arith.muli %arg1, %mul3A : i32
    %add3A = arith.addi %mul3A_0, %arg0 : i32
    %mul3A_1 = arith.constant 4096 : i32
    %mul3A_2 = arith.muli %add3A, %mul3A_1 : i32
    "tpu.region"() ({
      %run_scoped3A = tpu.sem_alloc : memref<!tpu.dma_semaphore, #tpu.memory_space<semaphore_mem>>
      %dma_start3A = tpu.memref_slice %arg4[%mul3A_2] : memref<131072xi32, #tpu.memory_space<hbm>> -> memref<4096xi32, #tpu.memory_space<hbm>>
      %dma_start3A_31 = tpu.memref_slice %arg4[%mul3A_2] : memref<131072xi32, #tpu.memory_space<hbm>> -> memref<4096xi32, #tpu.memory_space<hbm>>
      tpu.enqueue_dma source(%dma_start3A_31 : memref<4096xi32, #tpu.memory_space<hbm>>) target(%arg7 : memref<4096xi32, #tpu.memory_space<vmem>>) target_semaphore(%run_scoped3A : memref<!tpu.dma_semaphore, #tpu.memory_space<semaphore_mem>>)
      %dma_wait3A_32 = tpu.memref_slice %arg4[%mul3A_2] : memref<131072xi32, #tpu.memory_space<hbm>> -> memref<4096xi32, #tpu.memory_space<hbm>>
      %dma_wait3A_33 = tpu.memref_slice %arg4[%mul3A_2] : memref<131072xi32, #tpu.memory_space<hbm>> -> memref<4096xi32, #tpu.memory_space<hbm>>
      tpu.wait_dma2 semaphore(%run_scoped3A : memref<!tpu.dma_semaphore, #tpu.memory_space<semaphore_mem>>) src(%dma_wait3A_33 : memref<4096xi32, #tpu.memory_space<hbm>>) dst(%arg7 : memref<4096xi32, #tpu.memory_space<vmem>>)
      tpu.yield
    }) : () -> ()
    %scan3A = arith.constant 0 : i32
    %scan3A_3 = arith.constant 0 : i32
    %scan3A_4 = arith.constant 32 : i32
    %scan3A_5 = arith.addi %scan3A_3, %scan3A_4 : i32
    %scan3A_6 = arith.constant 1 : i32
    scf.for %scan3A_31 = %scan3A_3 to %scan3A_5 step %scan3A_6  : i32 {
      %mul3A_32 = arith.constant 2 : i32
      %mul3A_33 = arith.muli %mul3A_32, %scan3A_31 : i32
      %mul3A_34 = arith.constant 64 : i32
      %mul3A_35 = arith.muli %mul3A_33, %mul3A_34 : i32
      %add3A_36 = arith.constant 64 : i32
      %add3A_37 = arith.addi %mul3A_35, %add3A_36 : i32
      %add3A_38 = arith.addi %mul3A_2, %mul3A_35 : i32
      %add3A_39 = arith.addi %mul3A_2, %add3A_37 : i32
      %ne3A = arith.constant 0 : i32
      %ne3A_40 = arith.cmpi ne, %scan3A_31, %ne3A : i32
      %convert_element_type3A = arith.extui %ne3A_40 : i1 to i32
      %cond3A = arith.constant 0 : i32
      %cond3A_41 = arith.cmpi ne, %convert_element_type3A, %cond3A : i32
      scf.if %cond3A_41 {
        %dma_wait3A_110 = arith.constant 0 : i32
        %dma_wait3A_111 = arith.constant 0 : i32
        %dma_wait3A_112 = tpu.memref_slice %arg5[%add3A_38, %dma_wait3A_110, %dma_wait3A_111] : memref<131072x4x64xf32, #tpu.memory_space<hbm>> -> memref<64x4x64xf32, #tpu.memory_space<hbm>>
        %dma_wait3A_113 = arith.constant 0 : i32
        %dma_wait3A_114 = arith.constant 0 : i32
        %dma_wait3A_115 = tpu.memref_slice %arg5[%add3A_38, %dma_wait3A_113, %dma_wait3A_114] : memref<131072x4x64xf32, #tpu.memory_space<hbm>> -> memref<64x4x64xf32, #tpu.memory_space<hbm>>
        tpu.wait_dma2 semaphore(%arg14 : memref<!tpu.dma_semaphore, #tpu.memory_space<semaphore_mem>>) src(%arg8 : memref<64x4x64xf32, #tpu.memory_space<vmem>>) dst(%dma_wait3A_115 : memref<64x4x64xf32, #tpu.memory_space<hbm>>)
        %dma_wait3A_116 = arith.constant 0 : i32
        %dma_wait3A_117 = arith.constant 0 : i32
        %dma_wait3A_118 = tpu.memref_slice %arg6[%add3A_38, %dma_wait3A_116, %dma_wait3A_117] : memref<131072x4x64xf32, #tpu.memory_space<hbm>> -> memref<64x4x64xf32, #tpu.memory_space<hbm>>
        %dma_wait3A_119 = arith.constant 0 : i32
        %dma_wait3A_120 = arith.constant 0 : i32
        %dma_wait3A_121 = tpu.memref_slice %arg6[%add3A_38, %dma_wait3A_119, %dma_wait3A_120] : memref<131072x4x64xf32, #tpu.memory_space<hbm>> -> memref<64x4x64xf32, #tpu.memory_space<hbm>>
        tpu.wait_dma2 semaphore(%arg14 : memref<!tpu.dma_semaphore, #tpu.memory_space<semaphore_mem>>) src(%arg9 : memref<64x4x64xf32, #tpu.memory_space<vmem>>) dst(%dma_wait3A_121 : memref<64x4x64xf32, #tpu.memory_space<hbm>>)
      } else {
      }
      %dma_start3A = tpu.memref_slice %arg7[%mul3A_35] : memref<4096xi32, #tpu.memory_space<vmem>> -> memref<64xi32, #tpu.memory_space<vmem>>
      %dma_start3A_42 = arith.constant 0 : i32
      %dma_start3A_43 = arith.constant 0 : i32
      %dma_start3A_44 = arith.constant 0 : i32
      %dma_start3A_45 = tpu.memref_slice %arg2[%dma_start3A_42, %dma_start3A_43, %dma_start3A_44] : memref<130x4x64xf32, #tpu.memory_space<hbm>> -> memref<130x4x64xf32, #tpu.memory_space<hbm>>
      tpu.enqueue_indirect_dma source(%dma_start3A_45 : memref<130x4x64xf32, #tpu.memory_space<hbm>>) target(%arg8 : memref<64x4x64xf32, #tpu.memory_space<vmem>>) offsets(%dma_start3A : memref<64xi32, #tpu.memory_space<vmem>>) semaphore(%arg12 : memref<!tpu.dma_semaphore, #tpu.memory_space<semaphore_mem>>)
      %dma_start3A_46 = tpu.memref_slice %arg7[%mul3A_35] : memref<4096xi32, #tpu.memory_space<vmem>> -> memref<64xi32, #tpu.memory_space<vmem>>
      %dma_start3A_47 = arith.constant 0 : i32
      %dma_start3A_48 = arith.constant 0 : i32
      %dma_start3A_49 = arith.constant 0 : i32
      %dma_start3A_50 = tpu.memref_slice %arg3[%dma_start3A_47, %dma_start3A_48, %dma_start3A_49] : memref<130x4x64xf32, #tpu.memory_space<hbm>> -> memref<130x4x64xf32, #tpu.memory_space<hbm>>
      tpu.enqueue_indirect_dma source(%dma_start3A_50 : memref<130x4x64xf32, #tpu.memory_space<hbm>>) target(%arg9 : memref<64x4x64xf32, #tpu.memory_space<vmem>>) offsets(%dma_start3A_46 : memref<64xi32, #tpu.memory_space<vmem>>) semaphore(%arg12 : memref<!tpu.dma_semaphore, #tpu.memory_space<semaphore_mem>>)
      %ne3A_51 = arith.constant 0 : i32
      %ne3A_52 = arith.cmpi ne, %scan3A_31, %ne3A_51 : i32
      %convert_element_type3A_53 = arith.extui %ne3A_52 : i1 to i32
      %cond3A_54 = arith.constant 0 : i32
      %cond3A_55 = arith.cmpi ne, %convert_element_type3A_53, %cond3A_54 : i32
      scf.if %cond3A_55 {
        %dma_wait3A_110 = arith.constant 0 : i32
        %dma_wait3A_111 = arith.constant 0 : i32
        %dma_wait3A_112 = tpu.memref_slice %arg5[%add3A_39, %dma_wait3A_110, %dma_wait3A_111] : memref<131072x4x64xf32, #tpu.memory_space<hbm>> -> memref<64x4x64xf32, #tpu.memory_space<hbm>>
        %dma_wait3A_113 = arith.constant 0 : i32
        %dma_wait3A_114 = arith.constant 0 : i32
        %dma_wait3A_115 = tpu.memref_slice %arg5[%add3A_39, %dma_wait3A_113, %dma_wait3A_114] : memref<131072x4x64xf32, #tpu.memory_space<hbm>> -> memref<64x4x64xf32, #tpu.memory_space<hbm>>
        tpu.wait_dma2 semaphore(%arg15 : memref<!tpu.dma_semaphore, #tpu.memory_space<semaphore_mem>>) src(%arg10 : memref<64x4x64xf32, #tpu.memory_space<vmem>>) dst(%dma_wait3A_115 : memref<64x4x64xf32, #tpu.memory_space<hbm>>)
        %dma_wait3A_116 = arith.constant 0 : i32
        %dma_wait3A_117 = arith.constant 0 : i32
        %dma_wait3A_118 = tpu.memref_slice %arg6[%add3A_39, %dma_wait3A_116, %dma_wait3A_117] : memref<131072x4x64xf32, #tpu.memory_space<hbm>> -> memref<64x4x64xf32, #tpu.memory_space<hbm>>
        %dma_wait3A_119 = arith.constant 0 : i32
        %dma_wait3A_120 = arith.constant 0 : i32
        %dma_wait3A_121 = tpu.memref_slice %arg6[%add3A_39, %dma_wait3A_119, %dma_wait3A_120] : memref<131072x4x64xf32, #tpu.memory_space<hbm>> -> memref<64x4x64xf32, #tpu.memory_space<hbm>>
        tpu.wait_dma2 semaphore(%arg15 : memref<!tpu.dma_semaphore, #tpu.memory_space<semaphore_mem>>) src(%arg11 : memref<64x4x64xf32, #tpu.memory_space<vmem>>) dst(%dma_wait3A_121 : memref<64x4x64xf32, #tpu.memory_space<hbm>>)
      } else {
      }
      %dma_start3A_56 = tpu.memref_slice %arg7[%add3A_37] : memref<4096xi32, #tpu.memory_space<vmem>> -> memref<64xi32, #tpu.memory_space<vmem>>
      %dma_start3A_57 = arith.constant 0 : i32
      %dma_start3A_58 = arith.constant 0 : i32
      %dma_start3A_59 = arith.constant 0 : i32
      %dma_start3A_60 = tpu.memref_slice %arg2[%dma_start3A_57, %dma_start3A_58, %dma_start3A_59] : memref<130x4x64xf32, #tpu.memory_space<hbm>> -> memref<130x4x64xf32, #tpu.memory_space<hbm>>
      tpu.enqueue_indirect_dma source(%dma_start3A_60 : memref<130x4x64xf32, #tpu.memory_space<hbm>>) target(%arg10 : memref<64x4x64xf32, #tpu.memory_space<vmem>>) offsets(%dma_start3A_56 : memref<64xi32, #tpu.memory_space<vmem>>) semaphore(%arg13 : memref<!tpu.dma_semaphore, #tpu.memory_space<semaphore_mem>>)
      %dma_start3A_61 = tpu.memref_slice %arg7[%add3A_37] : memref<4096xi32, #tpu.memory_space<vmem>> -> memref<64xi32, #tpu.memory_space<vmem>>
      %dma_start3A_62 = arith.constant 0 : i32
      %dma_start3A_63 = arith.constant 0 : i32
      %dma_start3A_64 = arith.constant 0 : i32
      %dma_start3A_65 = tpu.memref_slice %arg3[%dma_start3A_62, %dma_start3A_63, %dma_start3A_64] : memref<130x4x64xf32, #tpu.memory_space<hbm>> -> memref<130x4x64xf32, #tpu.memory_space<hbm>>
      tpu.enqueue_indirect_dma source(%dma_start3A_65 : memref<130x4x64xf32, #tpu.memory_space<hbm>>) target(%arg11 : memref<64x4x64xf32, #tpu.memory_space<vmem>>) offsets(%dma_start3A_61 : memref<64xi32, #tpu.memory_space<vmem>>) semaphore(%arg13 : memref<!tpu.dma_semaphore, #tpu.memory_space<semaphore_mem>>)
      %dma_wait3A_66 = tpu.memref_slice %arg7[%mul3A_35] : memref<4096xi32, #tpu.memory_space<vmem>> -> memref<64xi32, #tpu.memory_space<vmem>>
      %dma_wait3A_67 = arith.constant 0 : i32
      %dma_wait3A_68 = arith.constant 0 : i32
      %dma_wait3A_69 = arith.constant 0 : i32
      %dma_wait3A_70 = tpu.memref_slice %arg2[%dma_wait3A_67, %dma_wait3A_68, %dma_wait3A_69] : memref<130x4x64xf32, #tpu.memory_space<hbm>> -> memref<130x4x64xf32, #tpu.memory_space<hbm>>
      tpu.wait_indirect_dma semaphore(%arg12 : memref<!tpu.dma_semaphore, #tpu.memory_space<semaphore_mem>>) src(%dma_wait3A_70 : memref<130x4x64xf32, #tpu.memory_space<hbm>>) dst(%arg8 : memref<64x4x64xf32, #tpu.memory_space<vmem>>)
      %dma_wait3A_71 = tpu.memref_slice %arg7[%mul3A_35] : memref<4096xi32, #tpu.memory_space<vmem>> -> memref<64xi32, #tpu.memory_space<vmem>>
      %dma_wait3A_72 = arith.constant 0 : i32
      %dma_wait3A_73 = arith.constant 0 : i32
      %dma_wait3A_74 = arith.constant 0 : i32
      %dma_wait3A_75 = tpu.memref_slice %arg3[%dma_wait3A_72, %dma_wait3A_73, %dma_wait3A_74] : memref<130x4x64xf32, #tpu.memory_space<hbm>> -> memref<130x4x64xf32, #tpu.memory_space<hbm>>
      tpu.wait_indirect_dma semaphore(%arg12 : memref<!tpu.dma_semaphore, #tpu.memory_space<semaphore_mem>>) src(%dma_wait3A_75 : memref<130x4x64xf32, #tpu.memory_space<hbm>>) dst(%arg9 : memref<64x4x64xf32, #tpu.memory_space<vmem>>)
      %dma_start3A_76 = arith.constant 0 : i32
      %dma_start3A_77 = arith.constant 0 : i32
      %dma_start3A_78 = tpu.memref_slice %arg5[%add3A_38, %dma_start3A_76, %dma_start3A_77] : memref<131072x4x64xf32, #tpu.memory_space<hbm>> -> memref<64x4x64xf32, #tpu.memory_space<hbm>>
      %dma_start3A_79 = arith.constant 0 : i32
      %dma_start3A_80 = arith.constant 0 : i32
      %dma_start3A_81 = tpu.memref_slice %arg5[%add3A_38, %dma_start3A_79, %dma_start3A_80] : memref<131072x4x64xf32, #tpu.memory_space<hbm>> -> memref<64x4x64xf32, #tpu.memory_space<hbm>>
      tpu.enqueue_dma source(%arg8 : memref<64x4x64xf32, #tpu.memory_space<vmem>>) target(%dma_start3A_81 : memref<64x4x64xf32, #tpu.memory_space<hbm>>) target_semaphore(%arg14 : memref<!tpu.dma_semaphore, #tpu.memory_space<semaphore_mem>>)
      %dma_start3A_82 = arith.constant 0 : i32
      %dma_start3A_83 = arith.constant 0 : i32
      %dma_start3A_84 = tpu.memref_slice %arg6[%add3A_38, %dma_start3A_82, %dma_start3A_83] : memref<131072x4x64xf32, #tpu.memory_space<hbm>> -> memref<64x4x64xf32, #tpu.memory_space<hbm>>
      %dma_start3A_85 = arith.constant 0 : i32
      %dma_start3A_86 = arith.constant 0 : i32
      %dma_start3A_87 = tpu.memref_slice %arg6[%add3A_38, %dma_start3A_85, %dma_start3A_86] : memref<131072x4x64xf32, #tpu.memory_space<hbm>> -> memref<64x4x64xf32, #tpu.memory_space<hbm>>
      tpu.enqueue_dma source(%arg9 : memref<64x4x64xf32, #tpu.memory_space<vmem>>) target(%dma_start3A_87 : memref<64x4x64xf32, #tpu.memory_space<hbm>>) target_semaphore(%arg14 : memref<!tpu.dma_semaphore, #tpu.memory_space<semaphore_mem>>)
      %dma_wait3A_88 = tpu.memref_slice %arg7[%add3A_37] : memref<4096xi32, #tpu.memory_space<vmem>> -> memref<64xi32, #tpu.memory_space<vmem>>
      %dma_wait3A_89 = arith.constant 0 : i32
      %dma_wait3A_90 = arith.constant 0 : i32
      %dma_wait3A_91 = arith.constant 0 : i32
      %dma_wait3A_92 = tpu.memref_slice %arg2[%dma_wait3A_89, %dma_wait3A_90, %dma_wait3A_91] : memref<130x4x64xf32, #tpu.memory_space<hbm>> -> memref<130x4x64xf32, #tpu.memory_space<hbm>>
      tpu.wait_indirect_dma semaphore(%arg13 : memref<!tpu.dma_semaphore, #tpu.memory_space<semaphore_mem>>) src(%dma_wait3A_92 : memref<130x4x64xf32, #tpu.memory_space<hbm>>) dst(%arg10 : memref<64x4x64xf32, #tpu.memory_space<vmem>>)
      %dma_wait3A_93 = tpu.memref_slice %arg7[%add3A_37] : memref<4096xi32, #tpu.memory_space<vmem>> -> memref<64xi32, #tpu.memory_space<vmem>>
      %dma_wait3A_94 = arith.constant 0 : i32
      %dma_wait3A_95 = arith.constant 0 : i32
      %dma_wait3A_96 = arith.constant 0 : i32
      %dma_wait3A_97 = tpu.memref_slice %arg3[%dma_wait3A_94, %dma_wait3A_95, %dma_wait3A_96] : memref<130x4x64xf32, #tpu.memory_space<hbm>> -> memref<130x4x64xf32, #tpu.memory_space<hbm>>
      tpu.wait_indirect_dma semaphore(%arg13 : memref<!tpu.dma_semaphore, #tpu.memory_space<semaphore_mem>>) src(%dma_wait3A_97 : memref<130x4x64xf32, #tpu.memory_space<hbm>>) dst(%arg11 : memref<64x4x64xf32, #tpu.memory_space<vmem>>)
      %dma_start3A_98 = arith.constant 0 : i32
      %dma_start3A_99 = arith.constant 0 : i32
      %dma_start3A_100 = tpu.memref_slice %arg5[%add3A_39, %dma_start3A_98, %dma_start3A_99] : memref<131072x4x64xf32, #tpu.memory_space<hbm>> -> memref<64x4x64xf32, #tpu.memory_space<hbm>>
      %dma_start3A_101 = arith.constant 0 : i32
      %dma_start3A_102 = arith.constant 0 : i32
      %dma_start3A_103 = tpu.memref_slice %arg5[%add3A_39, %dma_start3A_101, %dma_start3A_102] : memref<131072x4x64xf32, #tpu.memory_space<hbm>> -> memref<64x4x64xf32, #tpu.memory_space<hbm>>
      tpu.enqueue_dma source(%arg10 : memref<64x4x64xf32, #tpu.memory_space<vmem>>) target(%dma_start3A_103 : memref<64x4x64xf32, #tpu.memory_space<hbm>>) target_semaphore(%arg15 : memref<!tpu.dma_semaphore, #tpu.memory_space<semaphore_mem>>)
      %dma_start3A_104 = arith.constant 0 : i32
      %dma_start3A_105 = arith.constant 0 : i32
      %dma_start3A_106 = tpu.memref_slice %arg6[%add3A_39, %dma_start3A_104, %dma_start3A_105] : memref<131072x4x64xf32, #tpu.memory_space<hbm>> -> memref<64x4x64xf32, #tpu.memory_space<hbm>>
      %dma_start3A_107 = arith.constant 0 : i32
      %dma_start3A_108 = arith.constant 0 : i32
      %dma_start3A_109 = tpu.memref_slice %arg6[%add3A_39, %dma_start3A_107, %dma_start3A_108] : memref<131072x4x64xf32, #tpu.memory_space<hbm>> -> memref<64x4x64xf32, #tpu.memory_space<hbm>>
      tpu.enqueue_dma source(%arg11 : memref<64x4x64xf32, #tpu.memory_space<vmem>>) target(%dma_start3A_109 : memref<64x4x64xf32, #tpu.memory_space<hbm>>) target_semaphore(%arg15 : memref<!tpu.dma_semaphore, #tpu.memory_space<semaphore_mem>>)
    }
    %scan3A_7 = arith.constant 32 : i32
    %dma_wait3A = arith.constant 0 : i32
    %dma_wait3A_8 = arith.constant 0 : i32
    %dma_wait3A_9 = tpu.memref_slice %arg5[%mul3A_2, %dma_wait3A, %dma_wait3A_8] : memref<131072x4x64xf32, #tpu.memory_space<hbm>> -> memref<64x4x64xf32, #tpu.memory_space<hbm>>
    %dma_wait3A_10 = arith.constant 0 : i32
    %dma_wait3A_11 = arith.constant 0 : i32
    %dma_wait3A_12 = tpu.memref_slice %arg5[%mul3A_2, %dma_wait3A_10, %dma_wait3A_11] : memref<131072x4x64xf32, #tpu.memory_space<hbm>> -> memref<64x4x64xf32, #tpu.memory_space<hbm>>
    tpu.wait_dma2 semaphore(%arg14 : memref<!tpu.dma_semaphore, #tpu.memory_space<semaphore_mem>>) src(%arg8 : memref<64x4x64xf32, #tpu.memory_space<vmem>>) dst(%dma_wait3A_12 : memref<64x4x64xf32, #tpu.memory_space<hbm>>)
    %dma_wait3A_13 = arith.constant 0 : i32
    %dma_wait3A_14 = arith.constant 0 : i32
    %dma_wait3A_15 = tpu.memref_slice %arg6[%mul3A_2, %dma_wait3A_13, %dma_wait3A_14] : memref<131072x4x64xf32, #tpu.memory_space<hbm>> -> memref<64x4x64xf32, #tpu.memory_space<hbm>>
    %dma_wait3A_16 = arith.constant 0 : i32
    %dma_wait3A_17 = arith.constant 0 : i32
    %dma_wait3A_18 = tpu.memref_slice %arg6[%mul3A_2, %dma_wait3A_16, %dma_wait3A_17] : memref<131072x4x64xf32, #tpu.memory_space<hbm>> -> memref<64x4x64xf32, #tpu.memory_space<hbm>>
    tpu.wait_dma2 semaphore(%arg14 : memref<!tpu.dma_semaphore, #tpu.memory_space<semaphore_mem>>) src(%arg9 : memref<64x4x64xf32, #tpu.memory_space<vmem>>) dst(%dma_wait3A_18 : memref<64x4x64xf32, #tpu.memory_space<hbm>>)
    %dma_wait3A_19 = arith.constant 0 : i32
    %dma_wait3A_20 = arith.constant 0 : i32
    %dma_wait3A_21 = tpu.memref_slice %arg5[%mul3A_2, %dma_wait3A_19, %dma_wait3A_20] : memref<131072x4x64xf32, #tpu.memory_space<hbm>> -> memref<64x4x64xf32, #tpu.memory_space<hbm>>
    %dma_wait3A_22 = arith.constant 0 : i32
    %dma_wait3A_23 = arith.constant 0 : i32
    %dma_wait3A_24 = tpu.memref_slice %arg5[%mul3A_2, %dma_wait3A_22, %dma_wait3A_23] : memref<131072x4x64xf32, #tpu.memory_space<hbm>> -> memref<64x4x64xf32, #tpu.memory_space<hbm>>
    tpu.wait_dma2 semaphore(%arg15 : memref<!tpu.dma_semaphore, #tpu.memory_space<semaphore_mem>>) src(%arg10 : memref<64x4x64xf32, #tpu.memory_space<vmem>>) dst(%dma_wait3A_24 : memref<64x4x64xf32, #tpu.memory_space<hbm>>)
    %dma_wait3A_25 = arith.constant 0 : i32
    %dma_wait3A_26 = arith.constant 0 : i32
    %dma_wait3A_27 = tpu.memref_slice %arg6[%mul3A_2, %dma_wait3A_25, %dma_wait3A_26] : memref<131072x4x64xf32, #tpu.memory_space<hbm>> -> memref<64x4x64xf32, #tpu.memory_space<hbm>>
    %dma_wait3A_28 = arith.constant 0 : i32
    %dma_wait3A_29 = arith.constant 0 : i32
    %dma_wait3A_30 = tpu.memref_slice %arg6[%mul3A_2, %dma_wait3A_28, %dma_wait3A_29] : memref<131072x4x64xf32, #tpu.memory_space<hbm>> -> memref<64x4x64xf32, #tpu.memory_space<hbm>>
    tpu.wait_dma2 semaphore(%arg15 : memref<!tpu.dma_semaphore, #tpu.memory_space<semaphore_mem>>) src(%arg11 : memref<64x4x64xf32, #tpu.memory_space<vmem>>) dst(%dma_wait3A_30 : memref<64x4x64xf32, #tpu.memory_space<hbm>>)
    return
  }
}

</mosaic_0001>

<sc_bundles>
// kernel: kernel.3.cloned.1.call-start
scs
__scs_entry_jumppad:
0x0: {  	(pc) =	sbr.rel $0x88, $3  }
0x1: {  	(tag) =	ssettag $0x0;
	lr =	simm.s32 $0x1  }
0x2: {  	[smem:$0x3F9F] =	sst lr;
	_ =	strace $0xD0000000  }
0x3: {  	_ = 	snop  }
0x4: {  	_ = 	snop  }
0x5: {  	_ = 	snop  }
0x6: {  	_ = 	snop  }
0x7: {  	_ = 	snop  }
__scs_overlays_trampoline_lowered:
0x8: {  	[smem:$0x3FAE] =	sst s0  }
0x9: {  	[smem:$0x3FAF] =	sst s1  }
0xa: {  	[smem:$0x3FB0] =	sst s2  }
0xb: {  	[smem:$0x3FB1] =	sst s3  }
0xc: {  	[smem:$0x3FB2] =	sst s4  }
0xd: {  	[smem:$0x3FB3] =	sst s5  }
0xe: {  	[smem:$0x3FB4] =	sst s6  }
0xf: {  	[smem:$0x3FB5] =	sst s7  }
0x10: {  	[smem:$0x3FB6] =	sst s8  }
0x11: {  	[smem:$0x3FB7] =	sst s9;
	s0 =	simm.s32 @!p0 $0x0  }
0x12: {  	s1 =	sld [smem:$0x3F9D];
	s0 =	simm.s32 @p0 $0x1  }
0x13: {  	[smem:$0x3FB8] =	sst s0;
	s0 =	simm.s32 @!p1 $0x0  }
0x14: {  	s2 =	sld [smem:$0x3F9C];
	s0 =	simm.s32 @p1 $0x1  }
0x15: {  	[smem:$0x3FB9] =	sst s0;
	s0 =	simm.s32 @!p2 $0x0  }
0x16: {  	s3 =	sld [smem:$0x3FDB];
	s0 =	simm.s32 @p2 $0x1  }
0x17: {  	s4 =	simm.s32 $0x1BF5;
	[smem:$0x3FBB] =	sst s0  }
0x18: {  	s0 =	sld [smem:$0x3F9E];
	_ =	swait.ge [sflag:s4], $0x0  }
0x19: {  	s7 =	sld [smem:$0x3F9F]  }
0x1a: {  	s8 =	sadd.s32 $0xFFFFE003, lr  }
0x1b: {  	s9 =	sadd.s32 $0xFFFFFEF7, lr;
	s5 =	simm.s32 $0xFFFFFFFF;
	p2 =	slt.u32 s8, $0xFFFFF086  }
0x1c: {  	p1 =	slt.u32 s9, $0xF7A;
	s5 =	simm.s32 @!p2 $0x0  }
0x1d: {  	s5 =	simm.s32 @p1 $0x1;
	p0 =	seq.s32 s7, s2  }
0x1e: {  	s7 =	smul.u32 @!p0 $0xF7A, s2;
	p2 =	seq.s32 @!p0 s5, $0x0  }
0x1f: {  	s9 =	smul.u32 $0xF7A, s1;
	s8 =	simm.s32 @!p0 $0x1BF5;
	p2 =	por !p2, p0  }
0x20: {  	[sflag:s8] =	ssyncset.s32 @!p0 $0xFFFFF086;
	s6 =	sadd.s32 @!p0 s3, s7;
	s7 =	simm.s32 @!p0 $0x108  }
0x21: {  	s3 =	sadd.s32 s3, s9;
	s6 =	sadd.s32 @!p0 $0x88, s6;
	s7 =	simm.s32 @p2 $0x1082  }
0x22: {  	[simem:s7], [sflag:s8] =	dma.local @!p0 [hbm:s6], $0xF7A  }
0x23: {  	s9 =	sor.u32 $0xD0000000, s2;
	s6 =	simm.s32 $0x108;
	_ =	swait.ge @!p0 [sflag:s8], $0x0  }
0x24: {  	s3 =	sadd.s32 $0x88, s3;
	s6 =	simm.s32 @!p1 $0x1082;
	[sflag:s4] =	ssyncset.s32 $0xFFFFF086  }
0x25: {  	[simem:s6], [sflag:s4] =	dma.local [hbm:s3], $0xF7A  }
0x26: {  	[smem:$0x3F9F] =	sst s1;
	(tag) =	ssettag s2;
	_ =	strace s9  }
0x27: {  	s1 =	sld [smem:$0x3FAF]  }
0x28: {  	s2 =	sld [smem:$0x3FB0]  }
0x29: {  	s4 =	sld [smem:$0x3FB2]  }
0x2a: {  	p0 =	seq.s32 s5, $0x0;
	s5 =	sld [smem:$0x3FB3]  }
0x2b: {  	s6 =	sld [smem:$0x3FB4]  }
0x2c: {  	s7 =	sld [smem:$0x3FB5]  }
0x2d: {  	s3 =	simm.s32 $0x108;
	s8 =	sld [smem:$0x3FB6]  }
0x2e: {  	s3 =	simm.s32 @!p0 $0x1082;
	s9 =	sld [smem:$0x3FB7]  }
0x2f: {  	lr =	sadd.s32 s0, s3;
	s0 =	sld [smem:$0x3FAE]  }
0x30: {  	s3 =	sld [smem:$0x3FB1]  }
0x31: {  	[smem:$0x3FBA] =	sst s10  }
0x32: {  	s10 =	sld [smem:$0x3FB8];
	_ =	sdelay $0x3  }
0x33: {  	p0 =	seq.s32 s10, $0x1;
	s10 =	sld [smem:$0x3FBA];
	_ =	sdelay $0x3  }
0x34: {  	[smem:$0x3FBA] =	sst s10  }
0x35: {  	s10 =	sld [smem:$0x3FB9];
	_ =	sdelay $0x3  }
0x36: {  	p1 =	seq.s32 s10, $0x1;
	s10 =	sld [smem:$0x3FBA];
	_ =	sdelay $0x3  }
0x37: {  	[smem:$0x3FBA] =	sst s10  }
0x38: {  	s10 =	sld [smem:$0x3FBB]  }
0x39: {  	_ = 	snop;
	(pc) =	sbr.ind lr, $3  }
0x3a: {  	_ = 	snop  }
0x3b: {  	_ = 	snop  }
0x3c: {  	p2 =	seq.s32 s10, $0x1;
	s10 =	sld [smem:$0x3FBA]  }
0x3d: {  	_ =	shalt  }
0x3e: {  	_ =	shalt  }
0x3f: {  	_ =	shalt  }
0x40: {  	_ =	shalt  }
0x41: {  	_ =	shalt  }
0x42: {  	_ =	shalt  }
0x43: {  	_ =	shalt  }
0x44: {  	_ =	shalt  }
0x45: {  	_ =	shalt  }
0x46: {  	_ =	shalt  }
0x47: {  	_ =	shalt  }
0x48: {  	_ =	shalt  }
0x49: {  	_ =	shalt  }
0x4a: {  	_ =	shalt  }
0x4b: {  	_ =	shalt  }
0x4c: {  	_ =	shalt  }
0x4d: {  	_ =	shalt  }
0x4e: {  	_ =	shalt  }
0x4f: {  	_ =	shalt  }
0x50: {  	_ =	shalt  }
0x51: {  	_ =	shalt  }
0x52: {  	_ =	shalt  }
0x53: {  	_ =	shalt  }
0x54: {  	_ =	shalt  }
0x55: {  	_ =	shalt  }
0x56: {  	_ =	shalt  }
0x57: {  	_ =	shalt  }
0x58: {  	_ =	shalt  }
0x59: {  	_ =	shalt  }
0x5a: {  	_ =	shalt  }
0x5b: {  	_ =	shalt  }
0x5c: {  	_ =	shalt  }
0x5d: {  	_ =	shalt  }
0x5e: {  	_ =	shalt  }
0x5f: {  	_ =	shalt  }
0x60: {  	_ =	shalt  }
0x61: {  	_ =	shalt  }
0x62: {  	_ =	shalt  }
0x63: {  	_ =	shalt  }
0x64: {  	_ =	shalt  }
0x65: {  	_ =	shalt  }
0x66: {  	_ =	shalt  }
0x67: {  	_ =	shalt  }
0x68: {  	_ =	shalt  }
0x69: {  	_ =	shalt  }
0x6a: {  	_ =	shalt  }
0x6b: {  	_ =	shalt  }
0x6c: {  	_ =	shalt  }
0x6d: {  	_ =	shalt  }
0x6e: {  	_ =	shalt  }
0x6f: {  	_ =	shalt  }
0x70: {  	_ =	shalt  }
0x71: {  	_ =	shalt  }
0x72: {  	_ =	shalt  }
0x73: {  	_ =	shalt  }
0x74: {  	_ =	shalt  }
0x75: {  	_ =	shalt  }
0x76: {  	_ =	shalt  }
0x77: {  	_ =	shalt  }
0x78: {  	_ =	shalt  }
0x79: {  	_ =	shalt  }
0x7a: {  	_ =	shalt  }
0x7b: {  	_ =	shalt  }
0x7c: {  	_ =	shalt  }
0x7d: {  	_ =	shalt  }
0x7e: {  	_ =	shalt  }
0x7f: {  	_ =	shalt  }
0x80: {  	_ =	shalt  }
0x81: {  	_ =	shalt  }
0x82: {  	_ =	shalt  }
0x83: {  	_ =	shalt  }
0x84: {  	_ =	shalt  }
0x85: {  	_ =	shalt  }
0x86: {  	_ =	shalt  }
0x87: {  	_ =	shalt  }
.Lfunc_end0:
.L_simem_size_0:
called_computation.2_lowered:
.L_overlay_start_0:
0x88: {  	s2 =	sld [smem:$0x3FD9]  }
0x89: {  	s3 =	sld [smem:$0x3FFE];
	_ =	sdelay $0x1  }
0x8a: {  	s1 =	srdreg.scid  }
0x8b: {  	s0 =	sand.u32 $0x1, s1  }
0x8c: {  	s14 =	sshll.u32 s0, $0xA;
	s2 =	sadd.s32 s3, s2  }
0x8d: {  	s2 =	sadd.s32 s2, s14  }
0x8e: {  	[smem:$0x3FC6] =	sst s2  }
0x8f: {  	_ = 	snop  }
0x90: {  	s2 =	sld [smem:$0x3FD0];
	_ =	sdelay $0x2  }
0x91: {  	s15 =	simm.s32 $0xB;
	s4 =	simm.s32 $0x10  }
0x92: {  	[smem:s4], [sflag:s15] =	dma.local [hbm:s2], $0x1  }
0x93: {  	_ =	swait.eq [sflag:s15], $0x1  }
0x94: {  	[sflag:s15] =	ssyncset.done $0x0  }
0x95: {  	s16 =	sld [smem:$0x10];
	[sflag:s15] =	ssyncadd.s32 $0xFFFFFFFF  }
0x96: {  	s17 =	sld [smem:$0x11];
	(tm) =	ssettm $0x1  }
0x97: {  	s18 =	sld [smem:$0x3FFB];
	_ =	sdelay $0x3  }
0x98: {  	_ =	strace s18  }
0x99: {  	s4 =	sld [smem:$0x3FFC];
	_ =	sdelay $0x3  }
0x9a: {  	_ =	strace s4  }
0x9b: {  	s4 =	sld [smem:$0x3FFD];
	_ =	sdelay $0x3  }
0x9c: {  	_ =	strace s4  }
0x9d: {  	_ =	strace $0x8FFFFFFF  }
0x9e: {  	s19 =	sld [smem:$0x3FDB];
	_ =	sdelay $0x1  }
0x9f: {  	s5 =	simm.s32 $_scs_section_size  }
0xa0: {  	s6 =	simm.s32 $_size__tile_overlayer_lowered;
	s7 =	simm.s32 $_tile_overlayer_lowered  }
0xa1: {  	s22 =	simm.s32 $0x1BFF;
	s21 =	sshll.u32 s7, $0x1;
	s4 =	sadd.s32 s5, s19  }
0xa2: {  	s8 =	simm.s32 $0x0;
	s20 =	sshll.u32 s6, $0x1;
	s6 =	sadd.s32 s21, s4  }
0xa3: {  	[timem:s8], [sflag:s22] =	dma.local [hbm:s6], s20  }
0xa4: {  	_ =	swait.ge [sflag:s22], s20  }
0xa5: {  	s5 =	ssub.s32 $0x0, s20;
	[sflag:s22] =	ssyncset.done $0x0  }
0xa6: {  	[sflag:s22] =	ssyncadd.s32 s5;
	_ =	sdelay $0x1  }
0xa7: {  	s23 =	simm.s32 $0x1B8B  }
0xa8: {  	_ =	swait.ge [sflag:s23], $0x1  }
0xa9: {  	[sflag:s23] =	ssyncset.done $0x0  }
0xaa: {  	s25 =	simm.s32 $0x1B8E;
	s24 =	sld [smem:$0x3FFE];
	[sflag:s23] =	ssyncadd.s32 $0xFFFFFFFF  }
0xab: {  	s26 =	simm.s32 $execute0_lowered;
	[smem:$0x3FD2] =	sst s25  }
0xac: {  	s6 =	sshll.u32 s26, $0x1;
	_ =	strace $0x80000046;
	[dreg:$0x1] =	wrdreg $0xFFFFFFFF  }
0xad: {  	s28 =	simm.s32 $_size_execute0_lowered;
	s4 =	sadd.s32 s4, s6;
	[dreg:$0x0] =	wrdreg $0x0  }
0xae: {  	s6 =	sshll.u32 s28, $0x1;
	[dreg:$0x2] =	wrdreg s4  }
0xaf: {  	[dreg:$0x3] =	wrdreg s6  }
0xb0: {  	[dreg:$0x4] =	wrdreg $0xC0  }
0xb1: {  	_ =	task [dreg:s8], $0x5FFFF  }
0xb2: {  	[dreg:$0x1] =	wrdreg $0xFFFFFFFF  }
0xb3: {  	[dreg:$0x0] =	wrdreg $0x60  }
0xb4: {  	[dreg:$0x2] =	wrdreg s24  }
0xb5: {  	[dreg:$0x3] =	wrdreg s16  }
0xb6: {  	[dreg:$0x4] =	wrdreg s17  }
0xb7: {  	[dreg:$0x5] =	wrdreg $0x9  }
0xb8: {  	_ =	task.clear_ibuf [dreg:s8], $0x6FFFF;
	_ =	strace $0x90000046  }
0xb9: {  	s29 =	simm.s32 $0x9;
	_ =	strace $0x80000048  }
0xba: {  	_ =	swait.ge [sflag:s29], $0x1  }
0xbb: {  	[sflag:s29] =	ssyncadd.s32 $0xFFFFFFFF  }
0xbc: {  	_ =	strace $0x90000048  }
0xbd: {  	_ =	sfence  }
0xbe: {  	s30 =	sld [smem:$0x0];
	_ =	sdelay $0x2  }
0xbf: {  	s31 =	sshll.u32 s1, $0xD;
	s1 =	sshrl.u32 s1, $0x2  }
0xc0: {  	s3 =	sand.u32 $0x4000, s31;
	s1 =	sadd.s32 s1, s30  }
0xc1: {  	s0 =	sor.u32 s3, s0;
	s1 =	sshll.u32 s1, $0x11  }
0xc2: {  	s0 =	sor.u32 s1, s0  }
0xc3: {  	s0 =	sadd.s32 $0x8F2B, s0  }
0xc4: {  	[sflag:s0] =	ssyncadd.remote.s32 $0x1  }
0xc5: {  	_ =	sfence.sel $0xFFFF  }
0xc6: {  	[dreg:$0x0] =	wrdreg $0xFFFFFFFF;
	(pc) =	sbr.abs _section_cstart, $3  }
0xc7: {  	[dreg:$0x1] =	wrdreg $0xFFFFFFFF  }
0xc8: {  	_ =	task.clear_ibuf [dreg:s8], $0x2FFFF;
	_ =	strace $0x9FFFFFFF  }
0xc9: {  	(tm) =	ssettm $0x7FFFFFFF  }
tec
execute0_lowered:
.L_overlay_start_1:
0x0: {  	(tag) =	ssettag $0x1  }
0x1: {  	s5 =	rddreg [dreg:$0x0]  }
0x2: {  	s12 =	rddreg [dreg:$0x1]  }
0x3: {  	s10 =	rddreg [dreg:$0x2]  }
0x4: {  	s0 =	rddreg [dreg:$0x3];
	s2 =	simm.s32 $0x0;
	s3 =	srdreg.scid  }
0x5: {  	s1 =	stileid.u32;
	s17 =	simm.s32 $0x9000;
	s18 =	simm.s32 $0xD000  }
0x6: {  	s19 =	simm.s32 $0x1;
	s20 =	simm.s32 $0x2;
	s21 =	simm.s32 $0x3  }
0x7: {  	s22 =	simm.s32 $0x4;
	s23 =	simm.s32 $0x0;
	[smem:$0x7FF] =	sst s2  }
0x8: {  	s11 =	sand.u32 $0x1, s3;
	s4 =	sshll.u32 s1, $0xD;
	s3 =	sadd.s32 $0x2400, s5  }
0x9: {  	s14 =	sshll.u32 s1, $0x12;
	_ =	strace $0x80000047;
	s6 =	sshll.u32 s11, $0xC  }
0xa: {  	s7 =	ssub.s32 $0x2, s11;
	s15 =	sadd.s32 s14, s10;
	s16 =	sshll.u32 s11, $0x11  }
0xb: {  	s6 =	sor.u32 s6, s4;
	s4 =	sadd.s32 $0x1200, s5;
	s9 =	sshrl.u32 s7, $0x1  }
0xc: {  	s11 =	sadd.s32 s16, s15;
	s15 =	simm.s32 $0x1000;
	s8 =	sshrl.u32 s6, $0x3  }
0xd: {  	s7 =	ssub.s32 s7, s9;
	s31 =	sshll.u32 s6, $0x5;
	s5 =	sadd.s32 s8, s5  }
0xe: {  	s6 =	smax.u32 s7, $0x1;
	s7 =	sadd.s32 s12, s31;
	s13 =	sor.u32 $0x800, s31  }
0xf: {  	s8 =	sadd.s32 s10, s31;
	s5 =	sadd.s32 $0x3600, s5;
	s9 =	sadd.s32 s12, s13  }
0x10: {  	s10 =	sadd.s32 s10, s13;
	s12 =	sadd.s32 s14, s12;
	s13 =	simm.s32 $0x5  }
0x11: {  	s14 =	simm.s32 $0x40;
	s12 =	sadd.s32 s16, s12;
	s16 =	simm.s32 $0x5000  }
.LBB2_1:
0x12: {  	[tilespmem:s2], [sflag:$0x5] =	stream.linear.gather [hbm4b:s5+s2], $0x1000, $0x38;
	[tilespmem:$0x11000] =	vst v63  }
0x13: {  	_ =	swait.ge [sflag:s13], $0x1000  }
0x14: {  	[sflag:s13] =	ssyncset.done $0x0  }
0x15: {  	[sflag:s13] =	ssyncadd.s32 $0xFFFFF000  }
0x16: {  	[tilespmem:s15], [sflag:$0x1] =	stream.indirect.gather [hbm4b:s3+s14], $0x100, s2, s14, $0xb8;
	[tilespmem:$0x11000] =	vst v63  }
0x17: {  	_ = 	snop  }
0x18: {  	[tilespmem:s16], [sflag:$0x1] =	stream.indirect.gather [hbm4b:s4+s14], $0x100, s2, s14, $0xb8;
	[tilespmem:$0x11000] =	vst v63  }
0x19: {  	_ = 	snop  }
0x1a: {  	[tilespmem:s17], [sflag:$0x2] =	stream.indirect.gather [hbm4b:s3+s14], $0x100, s14, s14, $0xb8;
	[tilespmem:$0x11000] =	vst v63  }
0x1b: {  	_ = 	snop  }
0x1c: {  	[tilespmem:s18], [sflag:$0x2] =	stream.indirect.gather [hbm4b:s4+s14], $0x100, s14, s14, $0xb8;
	[tilespmem:$0x11000] =	vst v63  }
0x1d: {  	_ =	swait.ge [sflag:s19], $0x4000  }
0x1e: {  	[sflag:s19] =	ssyncset.done $0x0  }
0x1f: {  	[sflag:s19] =	ssyncadd.s32 $0xFFFFC000  }
0x20: {  	_ =	swait.ge [sflag:s19], $0x4000  }
0x21: {  	[sflag:s19] =	ssyncset.done $0x0  }
0x22: {  	[sflag:s19] =	ssyncadd.s32 $0xFFFFC000  }
0x23: {  	[hbm4b:s7+s2] =	stream.linear.scatter [tilespmem:s15], [sflag:$0x3], $0x4000, $0x38;
	[tilespmem:$0x11000] =	vst v63  }
0x24: {  	_ = 	snop  }
0x25: {  	[hbm4b:s8+s2] =	stream.linear.scatter [tilespmem:s16], [sflag:$0x3], $0x4000, $0x38;
	[tilespmem:$0x11000] =	vst v63  }
0x26: {  	_ =	swait.ge [sflag:s20], $0x4000  }
0x27: {  	[sflag:s20] =	ssyncset.done $0x0  }
0x28: {  	[sflag:s20] =	ssyncadd.s32 $0xFFFFC000  }
0x29: {  	_ =	swait.ge [sflag:s20], $0x4000  }
0x2a: {  	[sflag:s20] =	ssyncset.done $0x0  }
0x2b: {  	[sflag:s20] =	ssyncadd.s32 $0xFFFFC000  }
0x2c: {  	[hbm4b:s9+s2] =	stream.linear.scatter [tilespmem:s17], [sflag:$0x4], $0x4000, $0x38;
	[tilespmem:$0x11000] =	vst v63  }
0x2d: {  	_ = 	snop  }
0x2e: {  	[hbm4b:s10+s2] =	stream.linear.scatter [tilespmem:s18], [sflag:$0x4], $0x4000, $0x38;
	[tilespmem:$0x11000] =	vst v63  }
0x2f: {  	_ =	swait.ge [sflag:s21], $0x4000  }
0x30: {  	[sflag:s21] =	ssyncset.done $0x0  }
0x31: {  	[sflag:s21] =	ssyncadd.s32 $0xFFFFC000  }
0x32: {  	_ =	swait.ge [sflag:s21], $0x4000  }
0x33: {  	[sflag:s21] =	ssyncset.done $0x0  }
0x34: {  	s24 =	simm.s32 $0x80;
	[sflag:s21] =	ssyncadd.s32 $0xFFFFC000  }
0x35: {  	[tilespmem:s15], [sflag:$0x1] =	stream.indirect.gather [hbm4b:s3+s14], $0x100, s24, s14, $0xb8;
	[tilespmem:$0x11000] =	vst v63  }
0x36: {  	_ = 	snop  }
0x37: {  	[tilespmem:s16], [sflag:$0x1] =	stream.indirect.gather [hbm4b:s4+s14], $0x100, s24, s14, $0xb8;
	[tilespmem:$0x11000] =	vst v63  }
0x38: {  	_ =	swait.ge [sflag:s22], $0x4000  }
0x39: {  	[sflag:s22] =	ssyncset.done $0x0  }
0x3a: {  	[sflag:s22] =	ssyncadd.s32 $0xFFFFC000  }
0x3b: {  	_ =	swait.ge [sflag:s22], $0x4000  }
0x3c: {  	[sflag:s22] =	ssyncset.done $0x0  }
0x3d: {  	s29 =	simm.s32 $0xC0;
	[sflag:s22] =	ssyncadd.s32 $0xFFFFC000  }
0x3e: {  	[tilespmem:s17], [sflag:$0x2] =	stream.indirect.gather [hbm4b:s3+s14], $0x100, s29, s14, $0xb8;
	[tilespmem:$0x11000] =	vst v63  }
0x3f: {  	_ = 	snop  }
0x40: {  	[tilespmem:s18], [sflag:$0x2] =	stream.indirect.gather [hbm4b:s4+s14], $0x100, s29, s14, $0xb8;
	[tilespmem:$0x11000] =	vst v63  }
0x41: {  	_ =	swait.ge [sflag:s19], $0x4000  }
0x42: {  	[sflag:s19] =	ssyncset.done $0x0  }
0x43: {  	[sflag:s19] =	ssyncadd.s32 $0xFFFFC000  }
0x44: {  	_ =	swait.ge [sflag:s19], $0x4000  }
0x45: {  	s30 =	sadd.s32 $0x0, s12;
	[sflag:s19] =	ssyncset.done $0x0  }
0x46: {  	s26 =	sadd.s32 $0x0, s11;
	s25 =	sadd.s32 $0x1000, s30;
	[sflag:s19] =	ssyncadd.s32 $0xFFFFC000  }
0x47: {  	[hbm4b:s25+s2] =	stream.linear.scatter [tilespmem:s15], [sflag:$0x3], $0x4000, $0x38;
	[tilespmem:$0x11000] =	vst v63  }
0x48: {  	s31 =	sadd.s32 $0x1000, s26  }
0x49: {  	[hbm4b:s31+s2] =	stream.linear.scatter [tilespmem:s16], [sflag:$0x3], $0x4000, $0x38;
	[tilespmem:$0x11000] =	vst v63  }
0x4a: {  	_ =	swait.ge [sflag:s20], $0x4000  }
0x4b: {  	[sflag:s20] =	ssyncset.done $0x0  }
0x4c: {  	[sflag:s20] =	ssyncadd.s32 $0xFFFFC000  }
0x4d: {  	_ =	swait.ge [sflag:s20], $0x4000  }
0x4e: {  	[sflag:s20] =	ssyncset.done $0x0  }
0x4f: {  	s24 =	sadd.s32 $0x1800, s30;
	[sflag:s20] =	ssyncadd.s32 $0xFFFFC000  }
0x50: {  	[hbm4b:s24+s2] =	stream.linear.scatter [tilespmem:s17], [sflag:$0x4], $0x4000, $0x38;
	[tilespmem:$0x11000] =	vst v63  }
0x51: {  	s26 =	sadd.s32 $0x1800, s26;
	s25 =	simm.s32 $0x100;
	s24 =	simm.s32 $0x1000  }
.LBB2_2:
0x52: {  	[hbm4b:s26+s2] =	stream.linear.scatter [tilespmem:s18], [sflag:$0x4], $0x4000, $0x38;
	[tilespmem:$0x11000] =	vst v63  }
0x53: {  	s26 =	smov.u32 s24  }
0x54: {  	p0 =	sne.s32 s24, $0x1E000;
	s24 =	sadd.s32 $0x1000, s24;
	_ =	swait.ge [sflag:s21], $0x4000  }
0x55: {  	[sflag:s21] =	ssyncset.done $0x0  }
0x56: {  	[sflag:s21] =	ssyncadd.s32 $0xFFFFC000  }
0x57: {  	_ =	swait.ge [sflag:s21], $0x4000  }
0x58: {  	[sflag:s21] =	ssyncset.done $0x0  }
0x59: {  	[sflag:s21] =	ssyncadd.s32 $0xFFFFC000  }
0x5a: {  	[tilespmem:s15], [sflag:$0x1] =	stream.indirect.gather [hbm4b:s3+s14], $0x100, s25, s14, $0xb8;
	[tilespmem:$0x11000] =	vst v63  }
0x5b: {  	_ = 	snop  }
0x5c: {  	[tilespmem:s16], [sflag:$0x1] =	stream.indirect.gather [hbm4b:s4+s14], $0x100, s25, s14, $0xb8;
	[tilespmem:$0x11000] =	vst v63  }
0x5d: {  	_ =	swait.ge [sflag:s22], $0x4000  }
0x5e: {  	[sflag:s22] =	ssyncset.done $0x0  }
0x5f: {  	[sflag:s22] =	ssyncadd.s32 $0xFFFFC000  }
0x60: {  	_ =	swait.ge [sflag:s22], $0x4000  }
0x61: {  	[sflag:s22] =	ssyncset.done $0x0  }
0x62: {  	s28 =	sadd.s32 $0x40, s25;
	[sflag:s22] =	ssyncadd.s32 $0xFFFFC000  }
0x63: {  	[tilespmem:s17], [sflag:$0x2] =	stream.indirect.gather [hbm4b:s3+s14], $0x100, s28, s14, $0xb8;
	[tilespmem:$0x11000] =	vst v63  }
0x64: {  	_ = 	snop  }
0x65: {  	[tilespmem:s18], [sflag:$0x2] =	stream.indirect.gather [hbm4b:s4+s14], $0x100, s28, s14, $0xb8;
	[tilespmem:$0x11000] =	vst v63  }
0x66: {  	_ =	swait.ge [sflag:s19], $0x4000  }
0x67: {  	[sflag:s19] =	ssyncset.done $0x0  }
0x68: {  	[sflag:s19] =	ssyncadd.s32 $0xFFFFC000  }
0x69: {  	_ =	swait.ge [sflag:s19], $0x4000  }
0x6a: {  	s28 =	sadd.s32 s26, s12;
	[sflag:s19] =	ssyncset.done $0x0  }
0x6b: {  	s26 =	sadd.s32 s26, s11;
	s29 =	sadd.s32 $0x1000, s28;
	[sflag:s19] =	ssyncadd.s32 $0xFFFFC000  }
0x6c: {  	[hbm4b:s29+s2] =	stream.linear.scatter [tilespmem:s15], [sflag:$0x3], $0x4000, $0x38;
	[tilespmem:$0x11000] =	vst v63  }
0x6d: {  	s29 =	sadd.s32 $0x1000, s26  }
0x6e: {  	[hbm4b:s29+s2] =	stream.linear.scatter [tilespmem:s16], [sflag:$0x3], $0x4000, $0x38;
	[tilespmem:$0x11000] =	vst v63  }
0x6f: {  	_ =	swait.ge [sflag:s20], $0x4000  }
0x70: {  	[sflag:s20] =	ssyncset.done $0x0  }
0x71: {  	[sflag:s20] =	ssyncadd.s32 $0xFFFFC000  }
.Ltmp0:
0x72: {  	_ =	swait.ge [sflag:s20], $0x4000;
	(pc) =	sbr.rel @p0 .LBB2_2-.Ltmp0, $4  }
0x73: {  	[sflag:s20] =	ssyncset.done $0x0  }
0x74: {  	s28 =	sadd.s32 $0x1800, s28;
	[sflag:s20] =	ssyncadd.s32 $0xFFFFC000  }
0x75: {  	[hbm4b:s28+s2] =	stream.linear.scatter [tilespmem:s17], [sflag:$0x4], $0x4000, $0x38;
	[tilespmem:$0x11000] =	vst v63  }
0x76: {  	s25 =	sadd.s32 $0x80, s25;
	s26 =	sadd.s32 $0x1800, s26  }
0x77: {  	[hbm4b:s26+s2] =	stream.linear.scatter [tilespmem:s18], [sflag:$0x4], $0x4000, $0x38;
	[tilespmem:$0x11000] =	vst v63  }
0x78: {  	_ =	swait.ge [sflag:s21], $0x4000  }
0x79: {  	[sflag:s21] =	ssyncset.done $0x0  }
0x7a: {  	[sflag:s21] =	ssyncadd.s32 $0xFFFFC000  }
0x7b: {  	_ =	swait.ge [sflag:s21], $0x4000  }
0x7c: {  	[sflag:s21] =	ssyncset.done $0x0  }
0x7d: {  	s23 =	sadd.s32 $0x1, s23;
	[sflag:s21] =	ssyncadd.s32 $0xFFFFC000  }
0x7e: {  	p0 =	sne.s32 s23, s6;
	_ =	swait.ge [sflag:s22], $0x4000  }
.Ltmp1:
0x7f: {  	[sflag:s22] =	ssyncset.done $0x0;
	(pc) =	sbr.rel @p0 .LBB2_1-.Ltmp1, $4  }
0x80: {  	[sflag:s22] =	ssyncadd.s32 $0xFFFFC000  }
0x81: {  	_ =	swait.ge [sflag:s22], $0x4000  }
0x82: {  	[sflag:s22] =	ssyncset.done $0x0  }
0x83: {  	[sflag:s22] =	ssyncadd.s32 $0xFFFFC000  }
0x84: {  	_ =	sfence.sel $0x180000  }
0x85: {  	[bflag:$0x0] =	sbarrier.arrive $0xFFFF  }
0x86: {  	p0 =	sne.s32 s1, $0x0;
	_ =	strace $0x90000047  }
0x87: {  	s0 =	sadd.s32 @!p0 $0x100000, s0;
	[bflag:$0x2] =	sbarrier.arrive $0xFFFF  }
0x88: {  	[sflag:s0] =	ssyncadd.tile.s32 @!p0 $0x1;
	_ =	shalt  }
.Lfunc_end2:
_tile_overlayer_lowered:
.L_overlay_start_2:
0x89: {  	(tag) =	ssettag $0x2  }
0x8a: {  	s0 =	rddreg [dreg:$0x0];
	s2 =	stileid.u32  }
0x8b: {  	s1 =	rddreg [dreg:$0x1];
	p0 =	sne.s32 s2, $0x0  }
0x8c: {  	s3 =	rddreg [dreg:$0x2];
	[bflag:$0x3] =	sbarrier.arrive $0xFFFF;
	s2 =	simm.s32 @!p0 $0x1C05  }
0x8d: {  	[timem:s3], [sflag:s2] =	dma.local @!p0 [hbm:s0], s1  }
0x8e: {  	s0 =	simm.s32 @!p0 $0x5  }
0x8f: {  	_ =	swait.ge @!p0 [sflag:s0], s1  }
0x90: {  	s1 =	ssub.s32 @!p0 $0x0, s1;
	[sflag:s0] =	ssyncset.done @!p0 $0x0  }
0x91: {  	[sflag:s0] =	ssyncadd.s32 @!p0 s1  }
0x92: {  	[bflag:$0x3] =	sbarrier.arrive $0xFFFF  }
0x93: {  	_ =	shalt  }

// kernel: sparse-core-data-format-call.1.cloned.1.call-start
scs
called_computation.1_lowered:
.L_overlay_start_0:
0x0: {  	s2 =	sld [smem:$0x3FD9]  }
0x1: {  	s3 =	sld [smem:$0x3FFE];
	_ =	sdelay $0x1  }
0x2: {  	s1 =	srdreg.scid  }
0x3: {  	s0 =	sand.u32 $0x1, s1  }
0x4: {  	s15 =	sshll.u32 s0, $0xA;
	s2 =	sadd.s32 s3, s2  }
0x5: {  	s2 =	sadd.s32 s2, s15  }
0x6: {  	[smem:$0x3FC6] =	sst s2  }
0x7: {  	_ = 	snop  }
0x8: {  	s2 =	sld [smem:$0x3FD0];
	_ =	sdelay $0x2  }
0x9: {  	s16 =	simm.s32 $0xB;
	s4 =	simm.s32 $0x10  }
0xa: {  	[smem:s4], [sflag:s16] =	dma.local [hbm:s2], $0x1  }
0xb: {  	_ =	swait.eq [sflag:s16], $0x1  }
0xc: {  	[sflag:s16] =	ssyncset.done $0x0  }
0xd: {  	[sflag:s16] =	ssyncadd.s32 $0xFFFFFFFF  }
0xe: {  	s17 =	sld [smem:$0x10];
	(tm) =	ssettm $0x1  }
0xf: {  	s18 =	sld [smem:$0x3FFB];
	_ =	sdelay $0x3  }
0x10: {  	_ =	strace s18  }
0x11: {  	s3 =	sld [smem:$0x3FFC];
	_ =	sdelay $0x3  }
0x12: {  	_ =	strace s3  }
0x13: {  	s3 =	sld [smem:$0x3FFD];
	_ =	sdelay $0x3  }
0x14: {  	_ =	strace s3  }
0x15: {  	_ =	strace $0x8FFFFFFF  }
0x16: {  	s19 =	sld [smem:$0x3FDB];
	_ =	sdelay $0x1  }
0x17: {  	s20 =	simm.s32 $_scs_section_size  }
0x18: {  	s5 =	simm.s32 $_size__tile_overlayer_lowered;
	s6 =	simm.s32 $_tile_overlayer_lowered  }
0x19: {  	s23 =	simm.s32 $0x1BFF;
	s22 =	sshll.u32 s6, $0x1;
	s3 =	sadd.s32 s20, s19  }
0x1a: {  	s7 =	simm.s32 $0x0;
	s21 =	sshll.u32 s5, $0x1;
	s5 =	sadd.s32 s22, s3  }
0x1b: {  	[timem:s7], [sflag:s23] =	dma.local [hbm:s5], s21  }
0x1c: {  	_ =	swait.ge [sflag:s23], s21  }
0x1d: {  	s4 =	ssub.s32 $0x0, s21;
	[sflag:s23] =	ssyncset.done $0x0  }
0x1e: {  	[sflag:s23] =	ssyncadd.s32 s4;
	_ =	sdelay $0x1  }
0x1f: {  	s24 =	simm.s32 $0x1B8B  }
0x20: {  	_ =	swait.ge [sflag:s24], $0x1  }
0x21: {  	[sflag:s24] =	ssyncset.done $0x0  }
0x22: {  	s26 =	simm.s32 $0x1B8E;
	s25 =	sld [smem:$0x3FFE];
	[sflag:s24] =	ssyncadd.s32 $0xFFFFFFFF  }
0x23: {  	s27 =	simm.s32 $execute0_lowered;
	[smem:$0x3FD2] =	sst s26  }
0x24: {  	s5 =	sshll.u32 s27, $0x1;
	_ =	strace $0x80000049;
	[dreg:$0x1] =	wrdreg $0xFFFFFFFF  }
0x25: {  	s28 =	simm.s32 $_size_execute0_lowered;
	s3 =	sadd.s32 s3, s5;
	[dreg:$0x0] =	wrdreg $0x0  }
0x26: {  	s5 =	sshll.u32 s28, $0x1;
	[dreg:$0x2] =	wrdreg s3  }
0x27: {  	[dreg:$0x3] =	wrdreg s5  }
0x28: {  	[dreg:$0x4] =	wrdreg $0xC0  }
0x29: {  	_ =	task [dreg:s7], $0x5FFFF  }
0x2a: {  	[dreg:$0x1] =	wrdreg $0xFFFFFFFF  }
0x2b: {  	[dreg:$0x0] =	wrdreg $0x60  }
0x2c: {  	[dreg:$0x2] =	wrdreg s25  }
0x2d: {  	[dreg:$0x3] =	wrdreg s17  }
0x2e: {  	[dreg:$0x4] =	wrdreg $0xA  }
0x2f: {  	_ =	task.clear_ibuf [dreg:s7], $0x5FFFF;
	_ =	strace $0x90000049  }
0x30: {  	s29 =	simm.s32 $0xA;
	_ =	strace $0x8000004B  }
0x31: {  	_ =	swait.ge [sflag:s29], $0x1  }
0x32: {  	[sflag:s29] =	ssyncadd.s32 $0xFFFFFFFF  }
0x33: {  	_ =	strace $0x9000004B  }
0x34: {  	_ =	sfence  }
0x35: {  	s30 =	sld [smem:$0x0];
	_ =	sdelay $0x2  }
0x36: {  	s31 =	sshll.u32 s1, $0xD;
	s1 =	sshrl.u32 s1, $0x2  }
0x37: {  	s3 =	sand.u32 $0x4000, s31;
	s1 =	sadd.s32 s1, s30  }
0x38: {  	s0 =	sor.u32 s3, s0;
	s1 =	sshll.u32 s1, $0x11  }
0x39: {  	s0 =	sor.u32 s1, s0  }
0x3a: {  	s0 =	sadd.s32 $0x8F2B, s0  }
0x3b: {  	[sflag:s0] =	ssyncadd.remote.s32 $0x1  }
0x3c: {  	_ =	sfence.sel $0xFFFF  }
0x3d: {  	[dreg:$0x0] =	wrdreg $0xFFFFFFFF;
	(pc) =	sbr.abs _section_cstart, $3  }
0x3e: {  	[dreg:$0x1] =	wrdreg $0xFFFFFFFF  }
0x3f: {  	_ =	task.clear_ibuf [dreg:s7], $0x2FFFF;
	_ =	strace $0x9FFFFFFF  }
0x40: {  	(tm) =	ssettm $0x7FFFFFFF  }
0x41: {  	_ =	shalt  }
tec
execute0_lowered:
.L_overlay_start_1:
0x0: {  	(tag) =	ssettag $0x1  }
0x1: {  	s1 =	srdreg.scid  }
0x2: {  	s0 =	stileid.u32;
	s8 =	rddreg [dreg:$0x0]  }
0x3: {  	s2 =	rddreg [dreg:$0x1];
	s7 =	simm.s32 $0x1;
	s1 =	sshll.u32 s1, $0x4  }
0x4: {  	s9 =	simm.s32 $0x2;
	s15 =	simm.s32 $0x0;
	s1 =	sor.u32 s0, s1  }
0x5: {  	s16 =	simm.s32 $0x0;
	s17 =	simm.s32 $0x0;
	s1 =	sshrl.u32 s1, $0x2  }
0x6: {  	s11 =	simm.s32 $0x0;
	s14 =	simm.s32 $0x0;
	s3 =	sand.u32 $0x6, s1  }
0x7: {  	s4 =	sadd.s32 $0x1200, s8;
	s8 =	sadd.s32 $0x2200, s8;
	s6 =	ssub.s32 $0x100, s3  }
0x8: {  	s1 =	rddreg [dreg:$0x2];
	_ =	strace $0x8000004A;
	s5 =	sand.u32 $0x6, s6  }
.Ltmp0:
0x9: {  	s12 =	smov.u32 s3;
	p0 =	sne.s32 s5, $0x0;
	(pc) =	sbr.rel .LBB1_1-.Ltmp0, $4  }
0xa: {  	s6 =	sshrl.u32 s6, $0x3;
	s5 =	simm.s32 $0x1;
	s7 =	simm.s32 @!p0 $0x0  }
0xb: {  	[sflag:s5] =	ssyncpa.u1 $0x0;
	p0 =	por $0x0, $0x0;
	s10 =	sadd.s32 s7, s6  }
0xc: {  	s6 =	sand.u32 $0x7, s0;
	[sflag:s9] =	ssyncpa.u1 $0x0;
	s7 =	sshll.u32 s10, $0x1  }
0xd: {  	s9 =	sshllo.u32 s10, $0x1;
	s10 =	simm.s32 $0x800;
	s13 =	smov.u32 s6  }
.LBB1_7:
0xe: {  	s18 =	sadd.s32 $0x80, s11  }
0xf: {  	s15 =	sadd.s32 $0x8, s12;
	s19 =	smov.u32 s12;
	p2 =	sgt.s32 s18, $0xFF  }
0x10: {  	s19 =	smov.u32 @p2 s15  }
0x11: {  	s21 =	smov.u32 s13;
	s15 =	sadd.s32 $0x8, s13;
	p3 =	sgt.s32 s19, $0xFF  }
0x12: {  	s21 =	smov.u32 @p3 s15  }
0x13: {  	s18 =	simm.s32 @p2 $0x0;
	p2 =	sgt.s32 s21, $0x7  }
0x14: {  	p1 =	slt.u32 s14, $0x2;
	s21 =	smov.u32 @p2 s6;
	p2 =	sne.s32 s14, s9  }
.Ltmp1:
0x15: {  	s20 =	simm.s32 @!p1 $0x2;
	(pc) =	sbr.rel @!p2 .LBB1_8-.Ltmp1, $4  }
0x16: {  	s16 =	smov.u32 s12;
	s17 =	smov.u32 s13;
	_ =	swait.ge @!p1 [sflag:s20], $0x4000  }
0x17: {  	p0 =	por !p0, !p0;
	[sflag:s20] =	ssyncset.done @!p1 $0x0;
	s19 =	smov.u32 @p3 s3  }
0x18: {  	s15 =	smov.u32 s11;
	[sflag:s20] =	ssyncadd.s32 @!p1 $0xFFFFC000;
	s11 =	smov.u32 s18  }
0x19: {  	s12 =	smov.u32 s19;
	s14 =	sadd.s32 $0x1, s14;
	s13 =	smov.u32 s21  }
.LBB1_1:
0x1a: {  	p1 =	sge.u32 s14, s7  }
0x1b: {  	s18 =	sxor.u32 @!p1 $0xFFFFFFFF, s14;
	s19 =	sshll.u32 @!p1 s13, $0x14  }
0x1c: {  	s20 =	sshll.u32 @!p1 s12, $0xC;
	s22 =	sshll.u32 @!p1 s11, $0x4;
	s23 =	simm.s32 @!p1 $0x40  }
0x1d: {  	s24 =	simm.s32 @!p1 $0x80;
	s18 =	sshll.u32 @!p1 s18, $0xE;
	s21 =	sadd.s32 @!p1 s19, s20  }
0x1e: {  	s22 =	sand.u32 @!p1 $0xFF0, s22;
	s19 =	sadd.s32 @!p1 s19, s8;
	s21 =	sadd.s32 @!p1 s4, s21  }
0x1f: {  	s18 =	sand.u32 @!p1 $0x4000, s18;
	s19 =	sadd.s32 @!p1 s20, s19;
	s21 =	sadd.s32 @!p1 s22, s21  }
0x20: {  	[tilespmem:s18], [sflag:$0x1] =	stream.strided.gather @!p1 [hbm4b:s21+s23], $0x2000, s24, s23, $0x38;
	[tilespmem:$0x10100] =	vst v63  }
0x21: {  	s31 =	sadd.s32 $0xFFFFFFFF, s14;
	s19 =	sadd.s32 @!p1 s22, s19;
	s18 =	sor.u32 @!p1 $0x2000, s18  }
0x22: {  	[tilespmem:s18], [sflag:$0x1] =	stream.strided.gather @!p1 [hbm4b:s19+s23], $0x2000, s24, s23, $0x38;
	[tilespmem:$0x10100] =	vst v63  }
0x23: {  	p1 =	sge.u32 s31, s7  }
.Ltmp2:
0x24: {  	_ = 	snop;
	(pc) =	sbr.rel @p1 .LBB1_7-.Ltmp2, $1  }
0x25: {  	_ =	sdelay $0x3  }
0x26: {  	s18 =	simm.s32 $0x1;
	s20 =	sand.u32 $0x1, s14  }
0x27: {  	_ =	swait.ge [sflag:s5], $0x4000;
	s18 =	simm.s32 @!p0 $0x0;
	s20 =	smul.u32 $0x10200, s20  }
0x28: {  	p2 =	por $0x1, $0x1;
	[sflag:s5] =	ssyncset.done $0x0;
	s19 =	smul.u32 $0x10200, s18  }
0x29: {  	s21 =	sshll.u32 s18, $0x10;
	[sflag:s5] =	ssyncadd.s32 $0xFFFFC000;
	s30 =	sshrl.u32 s20, $0x2  }
0x2a: {  	s31 =	sshrl.u32 s21, $0x2;
	s21 =	simm.s32 $0x0;
	s19 =	sshrl.u32 s19, $0x2  }
0x2b: {  	s18 =	sor.u32 $0x8000, s30;
	s20 =	sadd.s32 $0x20, s31;
	s19 =	sor.u32 $0x8000, s19  }
.LBB1_3:
0x2c: {  	s22 =	sshll.u32 s21, $0xD  }
0x2d: {  	s22 =	sand.u32 $0x3FFFE000, s22  }
0x2e: {  	s24 =	sadd.s32 s22, s20  }
0x2f: {  	s31 =	smul.u32 $0x8100, s21;
	v3 =	vld [tilespmem:s24+$0x10]  }
0x30: {  	v1 =	vld [tilespmem:s24+$0xFFFFFFF0]  }
0x31: {  	s21 =	sshra.s32 s31, $0x2;
	v0 =	vld [tilespmem:s24+$0x0]  }
0x32: {  	s21 =	sadd.s32 s21, s19;
	v2 =	vld [tilespmem:s24+$0xFFFFFFE0]  }
0x33: {  	s22 =	sadd.s32 $0x0, s21  }
0x34: {  	p1 =	por p2, p2;
	s23 =	simm.s32 $0x4;
	s24 =	sadd.s32 $0x40, s24;
	[tilespmem:s22+$0x1830 ss:$0x81] =	vst.msk $0xffff, v3  }
.LBB1_4:
0x35: {  	v3 =	vld [tilespmem:s24+$0x10];
	p2 =	sne.s32 s23, $0x1FC;
	[tilespmem:s22+$0x810 ss:$0x81] =	vst.msk $0xffff, v1;
	s25 =	smov.u32 s23;
	s23 =	sadd.s32 $0x4, s23  }
.Ltmp3:
0x36: {  	v1 =	vld [tilespmem:s24+$0xFFFFFFF0];
	[tilespmem:s22+$0x1020 ss:$0x81] =	vst.msk $0xffff, v0;
	(pc) =	sbr.rel @p2 .LBB1_4-.Ltmp3, $4  }
0x37: {  	v0 =	vld [tilespmem:s24+$0x0];
	[tilespmem:s22+$0x0 ss:$0x81] =	vst.msk $0xffff, v2  }
0x38: {  	s22 =	sshra.s32 s25, $0x2;
	v2 =	vld [tilespmem:s24+$0xFFFFFFE0]  }
0x39: {  	s22 =	sadd.s32 s22, s21  }
0x3a: {  	s24 =	sadd.s32 $0x40, s24;
	[tilespmem:s22+$0x1830 ss:$0x81] =	vst.msk $0xffff, v3  }
.Ltmp4:
0x3b: {  	(pc) =	sbr.rel @p1 .LBB1_3-.Ltmp4, $4  }
0x3c: {  	_ = 	snop  }
0x3d: {  	[tilespmem:s22+$0x810 ss:$0x81] =	vst.msk $0xffff, v1  }
0x3e: {  	[tilespmem:s22+$0x1020 ss:$0x81] =	vst.msk $0xffff, v0  }
0x3f: {  	s21 =	simm.s32 $0x1;
	p2 =	por $0x0, $0x0;
	[tilespmem:s22+$0x0 ss:$0x81] =	vst.msk $0xffff, v2  }
0x40: {  	s17 =	sshll.u32 s17, $0x13;
	s19 =	sand.u32 $0x780, s15  }
.Ltmp5:
0x41: {  	s16 =	sshll.u32 s16, $0xB;
	s17 =	sadd.s32 s2, s17;
	(pc) =	sbr.rel .LBB1_7-.Ltmp5, $4  }
0x42: {  	s20 =	sshrl.u32 s15, $0x3;
	s30 =	sand.u32 $0x7, s15;
	s16 =	sadd.s32 s16, s17  }
0x43: {  	s31 =	sand.u32 $0xF, s20;
	s15 =	sshll.u32 s30, $0x12;
	s16 =	sadd.s32 s19, s16  }
0x44: {  	s15 =	sor.u32 $0x400, s15;
	s16 =	sadd.s32 s31, s16  }
0x45: {  	[hbm4b:s16+s15] =	stream.strided.scatter [tilespmem:s18], [sflag:$0x2], $0x4000, s10, s15, $0x20;
	[tilespmem:$0x10100] =	vst v63  }
.LBB1_8:
0x46: {  	_ =	sfence.sel $0x180000  }
0x47: {  	s2 =	simm.s32 $0x1;
	[bflag:$0x0] =	sbarrier.arrive $0xFFFF  }
0x48: {  	s31 =	simm.s32 $0x2;
	[sflag:s2] =	ssyncpa.u1 $0x1  }
0x49: {  	[sflag:s31] =	ssyncpa.u1 $0x1  }
0x4a: {  	p0 =	sne.s32 s0, $0x0;
	_ =	strace $0x9000004A  }
0x4b: {  	s0 =	sadd.s32 @!p0 $0x100000, s1;
	[bflag:$0x2] =	sbarrier.arrive $0xFFFF  }
0x4c: {  	[sflag:s0] =	ssyncadd.tile.s32 @!p0 $0x1;
	_ =	shalt  }
.Lfunc_end1:
_tile_overlayer_lowered:
.L_overlay_start_2:
0x4d: {  	(tag) =	ssettag $0x2  }
0x4e: {  	s0 =	rddreg [dreg:$0x0];
	s2 =	stileid.u32  }
0x4f: {  	s1 =	rddreg [dreg:$0x1];
	p0 =	sne.s32 s2, $0x0  }
0x50: {  	s3 =	rddreg [dreg:$0x2];
	[bflag:$0x3] =	sbarrier.arrive $0xFFFF;
	s2 =	simm.s32 @!p0 $0x1C01  }
0x51: {  	[timem:s3], [sflag:s2] =	dma.local @!p0 [hbm:s0], s1  }
0x52: {  	s0 =	simm.s32 @!p0 $0x1  }
0x53: {  	_ =	swait.ge @!p0 [sflag:s0], s1  }
0x54: {  	s1 =	ssub.s32 @!p0 $0x0, s1;
	[sflag:s0] =	ssyncset.done @!p0 $0x0  }
0x55: {  	[sflag:s0] =	ssyncadd.s32 @!p0 s1  }
0x56: {  	[bflag:$0x3] =	sbarrier.arrive $0xFFFF  }
0x57: {  	_ =	shalt  }

// kernel: sparse-core-data-format-call.cloned.1.call-start
scs
called_computation_lowered:
.L_overlay_start_0:
0x0: {  	s2 =	sld [smem:$0x3FD9]  }
0x1: {  	s3 =	sld [smem:$0x3FFE];
	_ =	sdelay $0x1  }
0x2: {  	s1 =	srdreg.scid  }
0x3: {  	s0 =	sand.u32 $0x1, s1  }
0x4: {  	s16 =	sshll.u32 s0, $0xA;
	s2 =	sadd.s32 s3, s2  }
0x5: {  	s2 =	sadd.s32 s2, s16  }
0x6: {  	[smem:$0x3FC6] =	sst s2  }
0x7: {  	_ = 	snop  }
0x8: {  	s2 =	sld [smem:$0x3FD0];
	_ =	sdelay $0x2  }
0x9: {  	s17 =	simm.s32 $0xB;
	s4 =	simm.s32 $0x10  }
0xa: {  	[smem:s4], [sflag:s17] =	dma.local [hbm:s2], $0x1  }
0xb: {  	_ =	swait.eq [sflag:s17], $0x1  }
0xc: {  	[sflag:s17] =	ssyncset.done $0x0  }
0xd: {  	[sflag:s17] =	ssyncadd.s32 $0xFFFFFFFF  }
0xe: {  	s18 =	sld [smem:$0x11];
	(tm) =	ssettm $0x1  }
0xf: {  	s19 =	sld [smem:$0x3FFB];
	_ =	sdelay $0x3  }
0x10: {  	_ =	strace s19  }
0x11: {  	s2 =	sld [smem:$0x3FFC];
	_ =	sdelay $0x3  }
0x12: {  	_ =	strace s2  }
0x13: {  	s2 =	sld [smem:$0x3FFD];
	_ =	sdelay $0x3  }
0x14: {  	_ =	strace s2  }
0x15: {  	_ =	strace $0x8FFFFFFF  }
0x16: {  	s20 =	sld [smem:$0x3FDB];
	_ =	sdelay $0x1  }
0x17: {  	s21 =	simm.s32 $_scs_section_size  }
0x18: {  	s5 =	simm.s32 $_size__tile_overlayer_lowered;
	s6 =	simm.s32 $_tile_overlayer_lowered  }
0x19: {  	s7 =	simm.s32 $0x1BFF;
	s22 =	sshll.u32 s6, $0x1;
	s4 =	sadd.s32 s21, s20  }
0x1a: {  	s23 =	simm.s32 $0x0;
	s5 =	sshll.u32 s5, $0x1;
	s6 =	sadd.s32 s22, s4  }
0x1b: {  	[timem:s23], [sflag:s7] =	dma.local [hbm:s6], s5  }
0x1c: {  	_ =	swait.ge [sflag:s7], s5  }
0x1d: {  	s5 =	ssub.s32 $0x0, s5;
	[sflag:s7] =	ssyncset.done $0x0  }
0x1e: {  	[sflag:s7] =	ssyncadd.s32 s5;
	_ =	sdelay $0x1  }
0x1f: {  	s24 =	simm.s32 $0x1B8B  }
0x20: {  	_ =	swait.ge [sflag:s24], $0x1  }
0x21: {  	[sflag:s24] =	ssyncset.done $0x0  }
0x22: {  	[sflag:s24] =	ssyncadd.s32 $0xFFFFFFFF  }
0x23: {  	s5 =	sld [smem:$0x0]  }
0x24: {  	s6 =	sand.u32 $0xFFFFFFFE, s1  }
0x25: {  	p0 =	sne.s32 s1, s6  }
0x26: {  	s6 =	sshll.u32 @p0 s6, $0xE  }
0x27: {  	s6 =	sadd.s32 @p0 $0x11B8D, s6;
	s7 =	sshll.u32 @p0 s5, $0x11  }
0x28: {  	s6 =	sor.u32 @p0 s7, s6  }
0x29: {  	[sflag:s6] =	ssyncadd.remote.s32 @p0 $0x1;
	_ =	sdelay $0x1  }
0x2a: {  	s6 =	simm.s32 @p0 $0x1B8D  }
0x2b: {  	_ =	swait.eq @p0 [sflag:s6], $0x1  }
0x2c: {  	[sflag:s6] =	ssyncadd.s32 @p0 $0xFFFFFFFF  }
0x2d: {  	s7 =	sshll.u32 @!p0 s1, $0xE  }
0x2e: {  	s7 =	sor.u32 @!p0 $0x4000, s7;
	s6 =	simm.s32 @!p0 $0x1B8D  }
0x2f: {  	s5 =	sshll.u32 @!p0 s5, $0x11;
	s7 =	sadd.s32 @!p0 $0x11B8D, s7;
	_ =	swait.eq @!p0 [sflag:s6], $0x1  }
0x30: {  	s5 =	sor.u32 @!p0 s5, s7;
	[sflag:s6] =	ssyncadd.s32 @!p0 $0xFFFFFFFF  }
0x31: {  	s26 =	simm.s32 $0x1B8E;
	s25 =	sld [smem:$0x3FFE];
	[sflag:s5] =	ssyncadd.remote.s32 @!p0 $0x1  }
0x32: {  	s27 =	simm.s32 $execute0_lowered;
	[smem:$0x3FD2] =	sst s26  }
0x33: {  	s6 =	sshll.u32 s27, $0x1;
	_ =	strace $0x8000004C;
	[dreg:$0x1] =	wrdreg $0xFFFFFFFF  }
0x34: {  	s28 =	simm.s32 $_size_execute0_lowered;
	s4 =	sadd.s32 s4, s6;
	[dreg:$0x0] =	wrdreg $0x0  }
0x35: {  	s6 =	sshll.u32 s28, $0x1;
	[dreg:$0x2] =	wrdreg s4  }
0x36: {  	[dreg:$0x3] =	wrdreg s6  }
0x37: {  	[dreg:$0x4] =	wrdreg $0xC0  }
0x38: {  	_ =	task [dreg:s23], $0x5FFFF  }
0x39: {  	[dreg:$0x1] =	wrdreg $0xFFFFFFFF  }
0x3a: {  	[dreg:$0x0] =	wrdreg $0x60  }
0x3b: {  	[dreg:$0x2] =	wrdreg s25  }
0x3c: {  	[dreg:$0x3] =	wrdreg s18  }
0x3d: {  	[dreg:$0x4] =	wrdreg $0x9  }
0x3e: {  	_ =	task.clear_ibuf [dreg:s23], $0x5FFFF;
	_ =	strace $0x9000004C  }
0x3f: {  	s29 =	simm.s32 $0x9;
	_ =	strace $0x8000004E  }
0x40: {  	_ =	swait.ge [sflag:s29], $0x1  }
0x41: {  	[sflag:s29] =	ssyncadd.s32 $0xFFFFFFFF  }
0x42: {  	_ =	strace $0x9000004E  }
0x43: {  	_ =	sfence  }
0x44: {  	s30 =	sld [smem:$0x0];
	_ =	sdelay $0x2  }
0x45: {  	s31 =	sshll.u32 s1, $0xD;
	s1 =	sshrl.u32 s1, $0x2  }
0x46: {  	s4 =	sand.u32 $0x4000, s31;
	s1 =	sadd.s32 s1, s30  }
0x47: {  	s0 =	sor.u32 s4, s0;
	s1 =	sshll.u32 s1, $0x11  }
0x48: {  	s0 =	sor.u32 s1, s0  }
0x49: {  	s0 =	sadd.s32 $0x8F2B, s0  }
0x4a: {  	[sflag:s0] =	ssyncadd.remote.s32 $0x1  }
0x4b: {  	_ =	sfence.sel $0xFFFF  }
0x4c: {  	[dreg:$0x0] =	wrdreg $0xFFFFFFFF;
	(pc) =	sbr.abs _section_cstart, $3  }
0x4d: {  	[dreg:$0x1] =	wrdreg $0xFFFFFFFF  }
0x4e: {  	_ =	task.clear_ibuf [dreg:s23], $0x2FFFF;
	_ =	strace $0x9FFFFFFF  }
0x4f: {  	(tm) =	ssettm $0x7FFFFFFF  }
tec
execute0_lowered:
.L_overlay_start_1:
0x0: {  	(tag) =	ssettag $0x1  }
0x1: {  	s1 =	srdreg.scid  }
0x2: {  	s0 =	stileid.u32;
	s8 =	rddreg [dreg:$0x0]  }
0x3: {  	s2 =	rddreg [dreg:$0x1];
	s7 =	simm.s32 $0x1;
	s1 =	sshll.u32 s1, $0x4  }
0x4: {  	s9 =	simm.s32 $0x2;
	s15 =	simm.s32 $0x0;
	s1 =	sor.u32 s0, s1  }
0x5: {  	s16 =	simm.s32 $0x0;
	s17 =	simm.s32 $0x0;
	s1 =	sshrl.u32 s1, $0x2  }
0x6: {  	s11 =	simm.s32 $0x0;
	s14 =	simm.s32 $0x0;
	s3 =	sand.u32 $0x6, s1  }
0x7: {  	s4 =	sadd.s32 $0x801200, s8;
	s8 =	sadd.s32 $0x802200, s8;
	s6 =	ssub.s32 $0x100, s3  }
0x8: {  	s1 =	rddreg [dreg:$0x2];
	_ =	strace $0x8000004D;
	s5 =	sand.u32 $0x6, s6  }
.Ltmp0:
0x9: {  	s12 =	smov.u32 s3;
	p0 =	sne.s32 s5, $0x0;
	(pc) =	sbr.rel .LBB1_1-.Ltmp0, $4  }
0xa: {  	s6 =	sshrl.u32 s6, $0x3;
	s5 =	simm.s32 $0x1;
	s7 =	simm.s32 @!p0 $0x0  }
0xb: {  	[sflag:s5] =	ssyncpa.u1 $0x0;
	p0 =	por $0x0, $0x0;
	s10 =	sadd.s32 s7, s6  }
0xc: {  	s6 =	sand.u32 $0x7, s0;
	[sflag:s9] =	ssyncpa.u1 $0x0;
	s7 =	sshll.u32 s10, $0x1  }
0xd: {  	s9 =	sshllo.u32 s10, $0x1;
	s10 =	simm.s32 $0x800;
	s13 =	smov.u32 s6  }
.LBB1_7:
0xe: {  	s18 =	sadd.s32 $0x80, s11  }
0xf: {  	s15 =	sadd.s32 $0x8, s12;
	s19 =	smov.u32 s12;
	p2 =	sgt.s32 s18, $0xFF  }
0x10: {  	s19 =	smov.u32 @p2 s15  }
0x11: {  	s21 =	smov.u32 s13;
	s15 =	sadd.s32 $0x8, s13;
	p3 =	sgt.s32 s19, $0xFF  }
0x12: {  	s21 =	smov.u32 @p3 s15  }
0x13: {  	s18 =	simm.s32 @p2 $0x0;
	p2 =	sgt.s32 s21, $0x7  }
0x14: {  	p1 =	slt.u32 s14, $0x2;
	s21 =	smov.u32 @p2 s6;
	p2 =	sne.s32 s14, s9  }
.Ltmp1:
0x15: {  	s20 =	simm.s32 @!p1 $0x2;
	(pc) =	sbr.rel @!p2 .LBB1_8-.Ltmp1, $4  }
0x16: {  	s16 =	smov.u32 s12;
	s17 =	smov.u32 s13;
	_ =	swait.ge @!p1 [sflag:s20], $0x4000  }
0x17: {  	p0 =	por !p0, !p0;
	[sflag:s20] =	ssyncset.done @!p1 $0x0;
	s19 =	smov.u32 @p3 s3  }
0x18: {  	s15 =	smov.u32 s11;
	[sflag:s20] =	ssyncadd.s32 @!p1 $0xFFFFC000;
	s11 =	smov.u32 s18  }
0x19: {  	s12 =	smov.u32 s19;
	s14 =	sadd.s32 $0x1, s14;
	s13 =	smov.u32 s21  }
.LBB1_1:
0x1a: {  	p1 =	sge.u32 s14, s7  }
0x1b: {  	s18 =	sxor.u32 @!p1 $0xFFFFFFFF, s14;
	s19 =	sshll.u32 @!p1 s13, $0x14  }
0x1c: {  	s20 =	sshll.u32 @!p1 s12, $0xC;
	s22 =	sshll.u32 @!p1 s11, $0x4;
	s23 =	simm.s32 @!p1 $0x40  }
0x1d: {  	s24 =	simm.s32 @!p1 $0x80;
	s18 =	sshll.u32 @!p1 s18, $0xE;
	s21 =	sadd.s32 @!p1 s19, s20  }
0x1e: {  	s22 =	sand.u32 @!p1 $0xFF0, s22;
	s19 =	sadd.s32 @!p1 s19, s8;
	s21 =	sadd.s32 @!p1 s4, s21  }
0x1f: {  	s18 =	sand.u32 @!p1 $0x4000, s18;
	s19 =	sadd.s32 @!p1 s20, s19;
	s21 =	sadd.s32 @!p1 s22, s21  }
0x20: {  	[tilespmem:s18], [sflag:$0x1] =	stream.strided.gather @!p1 [hbm4b:s21+s23], $0x2000, s24, s23, $0x38;
	[tilespmem:$0x10100] =	vst v63  }
0x21: {  	s31 =	sadd.s32 $0xFFFFFFFF, s14;
	s19 =	sadd.s32 @!p1 s22, s19;
	s18 =	sor.u32 @!p1 $0x2000, s18  }
0x22: {  	[tilespmem:s18], [sflag:$0x1] =	stream.strided.gather @!p1 [hbm4b:s19+s23], $0x2000, s24, s23, $0x38;
	[tilespmem:$0x10100] =	vst v63  }
0x23: {  	p1 =	sge.u32 s31, s7  }
.Ltmp2:
0x24: {  	_ = 	snop;
	(pc) =	sbr.rel @p1 .LBB1_7-.Ltmp2, $1  }
0x25: {  	_ =	sdelay $0x3  }
0x26: {  	s18 =	simm.s32 $0x1;
	s20 =	sand.u32 $0x1, s14  }
0x27: {  	_ =	swait.ge [sflag:s5], $0x4000;
	s18 =	simm.s32 @!p0 $0x0;
	s20 =	smul.u32 $0x10200, s20  }
0x28: {  	p2 =	por $0x1, $0x1;
	[sflag:s5] =	ssyncset.done $0x0;
	s19 =	smul.u32 $0x10200, s18  }
0x29: {  	s21 =	sshll.u32 s18, $0x10;
	[sflag:s5] =	ssyncadd.s32 $0xFFFFC000;
	s30 =	sshrl.u32 s20, $0x2  }
0x2a: {  	s31 =	sshrl.u32 s21, $0x2;
	s21 =	simm.s32 $0x0;
	s19 =	sshrl.u32 s19, $0x2  }
0x2b: {  	s18 =	sor.u32 $0x8000, s30;
	s20 =	sadd.s32 $0x20, s31;
	s19 =	sor.u32 $0x8000, s19  }
.LBB1_3:
0x2c: {  	s22 =	sshll.u32 s21, $0xD  }
0x2d: {  	s22 =	sand.u32 $0x3FFFE000, s22  }
0x2e: {  	s24 =	sadd.s32 s22, s20  }
0x2f: {  	s31 =	smul.u32 $0x8100, s21;
	v3 =	vld [tilespmem:s24+$0x10]  }
0x30: {  	v1 =	vld [tilespmem:s24+$0xFFFFFFF0]  }
0x31: {  	s21 =	sshra.s32 s31, $0x2;
	v0 =	vld [tilespmem:s24+$0x0]  }
0x32: {  	s21 =	sadd.s32 s21, s19;
	v2 =	vld [tilespmem:s24+$0xFFFFFFE0]  }
0x33: {  	s22 =	sadd.s32 $0x0, s21  }
0x34: {  	p1 =	por p2, p2;
	s23 =	simm.s32 $0x4;
	s24 =	sadd.s32 $0x40, s24;
	[tilespmem:s22+$0x1830 ss:$0x81] =	vst.msk $0xffff, v3  }
.LBB1_4:
0x35: {  	v3 =	vld [tilespmem:s24+$0x10];
	p2 =	sne.s32 s23, $0x1FC;
	[tilespmem:s22+$0x810 ss:$0x81] =	vst.msk $0xffff, v1;
	s25 =	smov.u32 s23;
	s23 =	sadd.s32 $0x4, s23  }
.Ltmp3:
0x36: {  	v1 =	vld [tilespmem:s24+$0xFFFFFFF0];
	[tilespmem:s22+$0x1020 ss:$0x81] =	vst.msk $0xffff, v0;
	(pc) =	sbr.rel @p2 .LBB1_4-.Ltmp3, $4  }
0x37: {  	v0 =	vld [tilespmem:s24+$0x0];
	[tilespmem:s22+$0x0 ss:$0x81] =	vst.msk $0xffff, v2  }
0x38: {  	s22 =	sshra.s32 s25, $0x2;
	v2 =	vld [tilespmem:s24+$0xFFFFFFE0]  }
0x39: {  	s22 =	sadd.s32 s22, s21  }
0x3a: {  	s24 =	sadd.s32 $0x40, s24;
	[tilespmem:s22+$0x1830 ss:$0x81] =	vst.msk $0xffff, v3  }
.Ltmp4:
0x3b: {  	(pc) =	sbr.rel @p1 .LBB1_3-.Ltmp4, $4  }
0x3c: {  	_ = 	snop  }
0x3d: {  	[tilespmem:s22+$0x810 ss:$0x81] =	vst.msk $0xffff, v1  }
0x3e: {  	[tilespmem:s22+$0x1020 ss:$0x81] =	vst.msk $0xffff, v0  }
0x3f: {  	s21 =	simm.s32 $0x1;
	p2 =	por $0x0, $0x0;
	[tilespmem:s22+$0x0 ss:$0x81] =	vst.msk $0xffff, v2  }
0x40: {  	s17 =	sshll.u32 s17, $0x13;
	s19 =	sand.u32 $0x780, s15  }
.Ltmp5:
0x41: {  	s16 =	sshll.u32 s16, $0xB;
	s17 =	sadd.s32 s2, s17;
	(pc) =	sbr.rel .LBB1_7-.Ltmp5, $4  }
0x42: {  	s20 =	sshrl.u32 s15, $0x3;
	s30 =	sand.u32 $0x7, s15;
	s16 =	sadd.s32 s16, s17  }
0x43: {  	s31 =	sand.u32 $0xF, s20;
	s15 =	sshll.u32 s30, $0x12;
	s16 =	sadd.s32 s19, s16  }
0x44: {  	s15 =	sor.u32 $0x400, s15;
	s16 =	sadd.s32 s31, s16  }
0x45: {  	[hbm4b:s16+s15] =	stream.strided.scatter [tilespmem:s18], [sflag:$0x2], $0x4000, s10, s15, $0x20;
	[tilespmem:$0x10100] =	vst v63  }
.LBB1_8:
0x46: {  	_ =	sfence.sel $0x180000  }
0x47: {  	s2 =	simm.s32 $0x1;
	[bflag:$0x0] =	sbarrier.arrive $0xFFFF  }
0x48: {  	s31 =	simm.s32 $0x2;
	[sflag:s2] =	ssyncpa.u1 $0x1  }
0x49: {  	[sflag:s31] =	ssyncpa.u1 $0x1  }
0x4a: {  	p0 =	sne.s32 s0, $0x0;
	_ =	strace $0x9000004D  }
0x4b: {  	s0 =	sadd.s32 @!p0 $0x100000, s1;
	[bflag:$0x2] =	sbarrier.arrive $0xFFFF  }
0x4c: {  	[sflag:s0] =	ssyncadd.tile.s32 @!p0 $0x1;
	_ =	shalt  }
.Lfunc_end1:
_tile_overlayer_lowered:
.L_overlay_start_2:
0x4d: {  	(tag) =	ssettag $0x2  }
0x4e: {  	s0 =	rddreg [dreg:$0x0];
	s2 =	stileid.u32  }
0x4f: {  	s1 =	rddreg [dreg:$0x1];
	p0 =	sne.s32 s2, $0x0  }
0x50: {  	s3 =	rddreg [dreg:$0x2];
	[bflag:$0x3] =	sbarrier.arrive $0xFFFF;
	s2 =	simm.s32 @!p0 $0x1C01  }
0x51: {  	[timem:s3], [sflag:s2] =	dma.local @!p0 [hbm:s0], s1  }
0x52: {  	s0 =	simm.s32 @!p0 $0x1  }
0x53: {  	_ =	swait.ge @!p0 [sflag:s0], s1  }
0x54: {  	s1 =	ssub.s32 @!p0 $0x0, s1;
	[sflag:s0] =	ssyncset.done @!p0 $0x0  }
0x55: {  	[sflag:s0] =	ssyncadd.s32 @!p0 s1  }
0x56: {  	[bflag:$0x3] =	sbarrier.arrive $0xFFFF  }
0x57: {  	_ =	shalt  }

</sc_bundles>
